<compile_context>
chip_gen: v7x
topology: tpu7x:2x2x1
jax: 0.10.2.dev20260603
libtpu: 0.0.44.dev20260713+nightly
codegen_flags: <defaults>
</compile_context>

<pallas_src>
import functools
import math

import jax
import jax.numpy as jnp
import numpy as np
from jax import lax
from jax.experimental import pallas as pl
from jax.experimental.pallas import tpu as pltpu
from jax.experimental.pallas import tpu_sc as plsc

N = 10000
E = 160000
DN = 16
DE = 8
FC_IN = 16
HID = 16
IN1 = 2 * DN + DE

NC, NS = 2, 16
NW = NC * NS
EPW = E // NW
CH = 128
NCH = -(-EPW // CH)
NFULL = EPW // CH
TAIL = EPW - NFULL * CH
EBUF = NCH * CH

BE = 3200


@functools.cache
def _mesh():
    return plsc.VectorSubcoreMesh(
        core_axis_name="c", subcore_axis_name="s", num_cores=NC, num_subcores=NS
    )


def _gather_body(x_hbm, ii_hbm, ij_hbm, xi_hbm, xj_hbm, idx_v, rows_v, sem):
    wid = lax.axis_index("s") * NC + lax.axis_index("c")
    base = wid * EPW

    for idx_hbm, out_hbm in ((ii_hbm, xi_hbm), (ij_hbm, xj_hbm)):
        pltpu.sync_copy(idx_hbm.at[pl.ds(base, EPW)], idx_v)

        def fire(j, carry):
            pltpu.async_copy(
                x_hbm.at[idx_v.at[pl.ds(j * CH, CH)]],
                rows_v.at[pl.ds(j * CH, CH)],
                sem,
            )
            return carry

        lax.fori_loop(0, NFULL, fire, 0)
        pltpu.async_copy(
            x_hbm.at[idx_v.at[pl.ds(NFULL * CH, TAIL)]],
            rows_v.at[pl.ds(NFULL * CH, TAIL)],
            sem,
        ).wait()

        def drain(j, carry):
            pltpu.make_async_copy(
                x_hbm.at[pl.ds(0, CH)], rows_v.at[pl.ds(0, CH)], sem
            ).wait()
            return carry

        lax.fori_loop(0, NFULL, drain, 0)
        pltpu.sync_copy(rows_v, out_hbm.at[pl.ds(base, EPW)])


@functools.cache
def _gather_k():
    return pl.kernel(
        _gather_body,
        out_type=(
            jax.ShapeDtypeStruct((E, DN), jnp.float32),
            jax.ShapeDtypeStruct((E, DN), jnp.float32),
        ),
        mesh=_mesh(),
        scratch_types=[
            pltpu.VMEM((EPW,), jnp.int32),
            pltpu.VMEM((EPW, DN), jnp.float32),
            pltpu.SemaphoreType.DMA,
        ],
        compiler_params=pltpu.CompilerParams(use_tc_tiling_on_sc=False),
    )


def _scatter_body(eu_hbm, ii_hbm, zero_hbm, out_hbm, idx_v, upd_v, agg_sh, sem):
    c = lax.axis_index("c")
    s = lax.axis_index("s")
    wid = s * NC + c
    base = wid * EPW

    @pl.when(s == 0)
    def _zero():
        pltpu.sync_copy(zero_hbm, agg_sh)

    def fire(j, carry):
        pltpu.async_copy(
            ii_hbm.at[pl.ds(base + j * CH, CH)], idx_v.at[j], sem
        )
        return carry

    lax.fori_loop(0, NFULL, fire, 0)

    def drain(j, carry):
        pltpu.make_async_copy(
            ii_hbm.at[pl.ds(base, CH)], idx_v.at[0], sem
        ).wait()
        return carry

    lax.fori_loop(0, NFULL, drain, 0)
    pltpu.sync_copy(ii_hbm.at[pl.ds(base, CH)], idx_v.at[NFULL])
    pltpu.sync_copy(
        ii_hbm.at[pl.ds(base + NFULL * CH, TAIL)],
        idx_v.at[NFULL, pl.ds(0, TAIL)],
    )
    pltpu.sync_copy(eu_hbm.at[pl.ds(base, EPW)], upd_v.at[pl.ds(0, EPW)])
    pltpu.sync_copy(
        zero_hbm.at[pl.ds(0, EBUF - EPW)], upd_v.at[pl.ds(EPW, EBUF - EPW)]
    )
    plsc.subcore_barrier()

    def body(j, carry):
        pltpu.sync_copy(
            upd_v.at[pl.ds(j * CH, CH)], agg_sh.at[idx_v.at[j]], add=True
        )
        return carry

    lax.fori_loop(0, NCH, body, 0)
    plsc.subcore_barrier()
    rows = N // NS
    pltpu.sync_copy(
        agg_sh.at[pl.ds(s * rows, rows)], out_hbm.at[c, pl.ds(s * rows, rows)]
    )


@functools.cache
def _scatter_k():
    return pl.kernel(
        _scatter_body,
        out_type=jax.ShapeDtypeStruct((NC, N, DN), jnp.float32),
        mesh=_mesh(),
        scratch_types=[
            pltpu.VMEM((NCH, CH), jnp.int32),
            pltpu.VMEM((EBUF, DN), jnp.float32),
            pltpu.VMEM_SHARED((N, DN), jnp.float32),
            pltpu.SemaphoreType.DMA,
        ],
        compiler_params=pltpu.CompilerParams(use_tc_tiling_on_sc=False),
    )


@functools.cache
def _sel_r():
    r = np.zeros((HID, HID * DN), np.float32)
    for m in range(HID):
        r[m, m * DN : (m + 1) * DN] = 1.0
    return jnp.asarray(r)


@functools.cache
def _sel_s():
    s = np.zeros((HID * DN, DN), np.float32)
    for m in range(HID):
        for k in range(DN):
            s[m * DN + k, k] = 1.0
    return jnp.asarray(s)


def _dense_body(xi_ref, xj_ref, eft_ref, elet_ref, sht_ref,
                wci_ref, wcj_ref, wcf_ref, w1_ref, r_ref, s_ref, out_ref):
    ele = elet_ref[...].T
    ef = eft_ref[...].T
    sh = sht_ref[...].T
    pre = jnp.dot(ele, w1_ref[...], preferred_element_type=jnp.float32)
    h = pre * jax.nn.sigmoid(pre) * sh
    y = (
        jnp.dot(xi_ref[...], wci_ref[...], preferred_element_type=jnp.float32)
        + jnp.dot(xj_ref[...], wcj_ref[...], preferred_element_type=jnp.float32)
        + jnp.dot(ef, wcf_ref[...], preferred_element_type=jnp.float32)
    )
    hx = jnp.dot(h, r_ref[...], preferred_element_type=jnp.float32)
    out_ref[...] = jnp.dot(y * hx, s_ref[...], preferred_element_type=jnp.float32)


def _dense(xi, xj, eft, elet, sht, wci, wcj, wcf, w1):
    grid = E // BE
    full = lambda shape: pl.BlockSpec(shape, lambda i: (0, 0))
    return pl.pallas_call(
        _dense_body,
        grid=(grid,),
        in_specs=[
            pl.BlockSpec((BE, DN), lambda i: (i, 0)),
            pl.BlockSpec((BE, DN), lambda i: (i, 0)),
            pl.BlockSpec((DE, BE), lambda i: (0, i)),
            pl.BlockSpec((FC_IN, BE), lambda i: (0, i)),
            pl.BlockSpec((1, BE), lambda i: (0, i)),
            full((DN, HID * DN)),
            full((DN, HID * DN)),
            full((DE, HID * DN)),
            full((FC_IN, HID)),
            full((HID, HID * DN)),
            full((HID * DN, DN)),
        ],
        out_specs=pl.BlockSpec((BE, DN), lambda i: (i, 0)),
        out_shape=jax.ShapeDtypeStruct((E, DN), jnp.float32),
    )(xi, xj, eft, elet, sht, wci, wcj, wcf, w1, _sel_r(), _sel_s())


def _final_body(p_ref, w_ref, out_ref):
    agg = p_ref[0] + p_ref[1]
    z = jnp.dot(agg, w_ref[...], preferred_element_type=jnp.float32)
    out_ref[...] = z * jax.nn.sigmoid(z)


def _final(parts, w_post):
    return pl.pallas_call(
        _final_body,
        out_shape=jax.ShapeDtypeStruct((N, DN), jnp.float32),
    )(parts, w_post)


def kernel(node_fea, edge_sh, edge_fea, edge_length_embedded, edge_index,
           W_pre, W_fc1, W_fc2, W_post):
    ii = edge_index[0]
    ij = edge_index[1]

    w1n = W_fc1 / np.sqrt(FC_IN)
    wpn = W_pre / np.sqrt(DN)
    wcat = (
        (W_fc2 / np.sqrt(HID))
        .reshape(HID, IN1, DN)
        .transpose(1, 0, 2)
        .reshape(IN1, HID * DN)
    ) / np.sqrt(IN1 * 1)
    wci = wpn @ wcat[0:DN]
    wcj = wpn @ wcat[DN : 2 * DN]
    wcf = wcat[2 * DN :]
    wpostn = W_post / np.sqrt(DN)

    zeros = jnp.zeros((N, DN), jnp.float32)

    xi_raw, xj_raw = _gather_k()(node_fea, ii, ij)
    eu = _dense(xi_raw, xj_raw, edge_fea.T, edge_length_embedded.T, edge_sh.T,
                wci, wcj, wcf, w1n)
    parts = _scatter_k()(eu, ii, zeros)
    return _final(parts, wpostn)

# --- scband reference (transcript-rebuilt; emitter-appended) ---
"""Pipeline reference for scband-node-update-block-6897717477397 (READ-ONLY COPY).

The authoritative reference and input builder live on the scoring server;
editing this copy changes nothing except your own understanding.
"""

import jax, jax.numpy as jnp
import numpy as np

N = 10000
E = 160000
D_NODE = 16
D_EDGE = 8
D_SH = 1
FC_IN = 16
HID = 16
IN1 = 2 * D_NODE + D_EDGE  # concat([x_i, x_j, edge_fea]) -> 40 scalars
WNUM = IN1 * D_SH * D_NODE  # FullyConnectedTensorProduct weight_numel = 640


def setup_inputs(seed: int = 0) -> dict:
    key = jax.random.key(seed)
    ks = jax.random.split(key, 10)
    node_fea = jax.random.normal(ks[0], (N, D_NODE), dtype=jnp.float32)
    edge_sh = jnp.ones((E, D_SH), dtype=jnp.float32)  # l=0 spherical harmonic is constant
    edge_fea = jax.random.normal(ks[1], (E, D_EDGE), dtype=jnp.float32)
    edge_length_embedded = jax.random.uniform(ks[2], (E, FC_IN), dtype=jnp.float32)
    edge_index = jax.random.randint(ks[3], (2, E), 0, N, dtype=jnp.int32)
    # learned parameters
    W_pre = jax.random.normal(ks[4], (D_NODE, D_NODE), dtype=jnp.float32)   # e3nn Linear (lin_pre)
    W_fc1 = jax.random.normal(ks[5], (FC_IN, HID), dtype=jnp.float32)       # FullyConnectedNet layer 1
    W_fc2 = jax.random.normal(ks[6], (HID, WNUM), dtype=jnp.float32)        # FullyConnectedNet layer 2 -> tp weights
    W_post = jax.random.normal(ks[7], (D_NODE, D_NODE), dtype=jnp.float32)  # e3nn Linear (lin_post)
    return {
        "node_fea": node_fea,
        "edge_sh": edge_sh,
        "edge_fea": edge_fea,
        "edge_length_embedded": edge_length_embedded,
        "edge_index": edge_index,
        "W_pre": W_pre,
        "W_fc1": W_fc1,
        "W_fc2": W_fc2,
        "W_post": W_post,
    }


def reference(node_fea, edge_sh, edge_fea, edge_length_embedded, edge_index,
              W_pre, W_fc1, W_fc2, W_post):
    # lin_pre: e3nn Linear with path normalization 1/sqrt(fan_in), no bias
    x = node_fea @ (W_pre / np.sqrt(D_NODE))
    index_i = edge_index[0]
    index_j = edge_index[1]
    # gather node features onto edges and concat with edge features (concat=True branch)
    x1 = jnp.concatenate([jnp.take(x, index_i, axis=0),
                          jnp.take(x, index_j, axis=0),
                          edge_fea], axis=-1)  # [E, IN1]
    # EquiConv.fc: FullyConnectedNet([FC_IN, HID, WNUM], silu) -> per-edge tp weights
    h = jax.nn.silu(edge_length_embedded @ (W_fc1 / np.sqrt(FC_IN)))
    w = h @ (W_fc2 / np.sqrt(HID))  # [E, WNUM]
    w = w.reshape(E, IN1, D_NODE)
    # FullyConnectedTensorProduct on scalar irreps (0e x 0e -> 0e), external weights,
    # path normalization 1/sqrt(in1_dim * in2_dim)
    edge_update = jnp.einsum('ei,eik->ek', x1, w) * edge_sh / np.sqrt(IN1 * D_SH)  # [E, D_NODE]
    # scatter-add messages back to destination nodes
    agg = jax.ops.segment_sum(edge_update, index_i, num_segments=N)
    # lin_post
    out = agg @ (W_post / np.sqrt(D_NODE))
    # Gate: with scalar-only output irreps this is just the scalar activation (silu for parity +1)
    out = jax.nn.silu(out)
    return out

if __name__ == "__main__":
    import jax
    _d = setup_inputs()
    print(jax.jit(kernel)(*tuple(_d.values())))

</pallas_src>

<mosaic_0001>
#map = affine_map<(d0, d1) -> (0, 0)>
#map1 = affine_map<(d0, d1) -> (0)>
module attributes {stable_mosaic.version = 14 : i64} {
  func.func @_gather_body(%arg0: i32, %arg1: i32, %arg2: memref<10000x16xf32, #tpu.memory_space<hbm>>, %arg3: memref<160000xi32, #tpu.memory_space<hbm>>, %arg4: memref<160000xi32, #tpu.memory_space<hbm>>, %arg5: memref<160000x16xf32, #tpu.memory_space<hbm>>, %arg6: memref<160000x16xf32, #tpu.memory_space<hbm>>, %arg7: memref<5000xi32, #tpu.memory_space<vmem>>, %arg8: memref<5000x16xf32, #tpu.memory_space<vmem>>, %arg9: memref<!tpu.dma_semaphore, #tpu.memory_space<semaphore_mem>>) attributes {dimension_semantics = [#tpu.dimension_semantics<core_parallel>, #tpu.dimension_semantics<subcore_parallel>], iteration_bounds = array<i64: 2, 16>, scalar_prefetch = 0 : i64, scratch_operands = 3 : i64, tpu.core_type = #tpu.core_type<sc_vector_subcore>, window_params = [{transform_indices = #map}, {transform_indices = #map1}, {transform_indices = #map1}, {transform_indices = #map}, {transform_indices = #map}]} {
    %mul3A = arith.constant 2 : i32
    %mul3A_0 = arith.muli %arg1, %mul3A : i32
    %add3A = arith.addi %mul3A_0, %arg0 : i32
    %mul3A_1 = arith.constant 5000 : i32
    %mul3A_2 = arith.muli %add3A, %mul3A_1 : i32
    "tpu.region"() ({
      %run_scoped3A = tpu.sem_alloc : memref<!tpu.dma_semaphore, #tpu.memory_space<semaphore_mem>>
      %dma_start3A_56 = tpu.memref_slice %arg3[%mul3A_2] : memref<160000xi32, #tpu.memory_space<hbm>> -> memref<5000xi32, #tpu.memory_space<hbm>>
      %dma_start3A_57 = tpu.memref_slice %arg3[%mul3A_2] : memref<160000xi32, #tpu.memory_space<hbm>> -> memref<5000xi32, #tpu.memory_space<hbm>>
      tpu.enqueue_dma source(%dma_start3A_57 : memref<5000xi32, #tpu.memory_space<hbm>>) target(%arg7 : memref<5000xi32, #tpu.memory_space<vmem>>) target_semaphore(%run_scoped3A : memref<!tpu.dma_semaphore, #tpu.memory_space<semaphore_mem>>)
      %dma_wait3A_58 = tpu.memref_slice %arg3[%mul3A_2] : memref<160000xi32, #tpu.memory_space<hbm>> -> memref<5000xi32, #tpu.memory_space<hbm>>
      %dma_wait3A_59 = tpu.memref_slice %arg3[%mul3A_2] : memref<160000xi32, #tpu.memory_space<hbm>> -> memref<5000xi32, #tpu.memory_space<hbm>>
      tpu.wait_dma2 semaphore(%run_scoped3A : memref<!tpu.dma_semaphore, #tpu.memory_space<semaphore_mem>>) src(%dma_wait3A_59 : memref<5000xi32, #tpu.memory_space<hbm>>) dst(%arg7 : memref<5000xi32, #tpu.memory_space<vmem>>)
      tpu.yield
    }) : () -> ()
    %scan3A = arith.constant 0 : i32
    %scan3A_3 = arith.constant 0 : i32
    %scan3A_4 = arith.constant 39 : i32
    %scan3A_5 = arith.addi %scan3A_3, %scan3A_4 : i32
    %scan3A_6 = arith.constant 1 : i32
    scf.for %scan3A_56 = %scan3A_3 to %scan3A_5 step %scan3A_6  : i32 {
      %mul3A_57 = arith.constant 128 : i32
      %mul3A_58 = arith.muli %scan3A_56, %mul3A_57 : i32
      %mul3A_59 = arith.constant 128 : i32
      %mul3A_60 = arith.muli %scan3A_56, %mul3A_59 : i32
      %dma_start3A_61 = arith.constant 0 : i32
      %dma_start3A_62 = tpu.memref_slice %arg8[%mul3A_60, %dma_start3A_61] : memref<5000x16xf32, #tpu.memory_space<vmem>> -> memref<128x16xf32, #tpu.memory_space<vmem>>
      %dma_start3A_63 = tpu.memref_slice %arg7[%mul3A_58] : memref<5000xi32, #tpu.memory_space<vmem>> -> memref<128xi32, #tpu.memory_space<vmem>>
      %dma_start3A_64 = arith.constant 0 : i32
      %dma_start3A_65 = arith.constant 0 : i32
      %dma_start3A_66 = tpu.memref_slice %arg2[%dma_start3A_64, %dma_start3A_65] : memref<10000x16xf32, #tpu.memory_space<hbm>> -> memref<10000x16xf32, #tpu.memory_space<hbm>>
      tpu.enqueue_indirect_dma source(%dma_start3A_66 : memref<10000x16xf32, #tpu.memory_space<hbm>>) target(%dma_start3A_62 : memref<128x16xf32, #tpu.memory_space<vmem>>) offsets(%dma_start3A_63 : memref<128xi32, #tpu.memory_space<vmem>>) semaphore(%arg9 : memref<!tpu.dma_semaphore, #tpu.memory_space<semaphore_mem>>)
    }
    %scan3A_7 = arith.constant 39 : i32
    %dma_start3A = arith.constant 4992 : i32
    %dma_start3A_8 = arith.constant 0 : i32
    %dma_start3A_9 = tpu.memref_slice %arg8[%dma_start3A, %dma_start3A_8] : memref<5000x16xf32, #tpu.memory_space<vmem>> -> memref<8x16xf32, #tpu.memory_space<vmem>>
    %dma_start3A_10 = arith.constant 4992 : i32
    %dma_start3A_11 = tpu.memref_slice %arg7[%dma_start3A_10] : memref<5000xi32, #tpu.memory_space<vmem>> -> memref<8xi32, #tpu.memory_space<vmem>>
    %dma_start3A_12 = arith.constant 0 : i32
    %dma_start3A_13 = arith.constant 0 : i32
    %dma_start3A_14 = tpu.memref_slice %arg2[%dma_start3A_12, %dma_start3A_13] : memref<10000x16xf32, #tpu.memory_space<hbm>> -> memref<10000x16xf32, #tpu.memory_space<hbm>>
    tpu.enqueue_indirect_dma source(%dma_start3A_14 : memref<10000x16xf32, #tpu.memory_space<hbm>>) target(%dma_start3A_9 : memref<8x16xf32, #tpu.memory_space<vmem>>) offsets(%dma_start3A_11 : memref<8xi32, #tpu.memory_space<vmem>>) semaphore(%arg9 : memref<!tpu.dma_semaphore, #tpu.memory_space<semaphore_mem>>)
    %dma_wait3A = arith.constant 4992 : i32
    %dma_wait3A_15 = arith.constant 0 : i32
    %dma_wait3A_16 = tpu.memref_slice %arg8[%dma_wait3A, %dma_wait3A_15] : memref<5000x16xf32, #tpu.memory_space<vmem>> -> memref<8x16xf32, #tpu.memory_space<vmem>>
    %dma_wait3A_17 = arith.constant 4992 : i32
    %dma_wait3A_18 = tpu.memref_slice %arg7[%dma_wait3A_17] : memref<5000xi32, #tpu.memory_space<vmem>> -> memref<8xi32, #tpu.memory_space<vmem>>
    %dma_wait3A_19 = arith.constant 0 : i32
    %dma_wait3A_20 = arith.constant 0 : i32
    %dma_wait3A_21 = tpu.memref_slice %arg2[%dma_wait3A_19, %dma_wait3A_20] : memref<10000x16xf32, #tpu.memory_space<hbm>> -> memref<10000x16xf32, #tpu.memory_space<hbm>>
    tpu.wait_indirect_dma semaphore(%arg9 : memref<!tpu.dma_semaphore, #tpu.memory_space<semaphore_mem>>) src(%dma_wait3A_21 : memref<10000x16xf32, #tpu.memory_space<hbm>>) dst(%dma_wait3A_16 : memref<8x16xf32, #tpu.memory_space<vmem>>)
    %scan3A_22 = arith.constant 0 : i32
    %scan3A_23 = arith.constant 0 : i32
    %scan3A_24 = arith.constant 39 : i32
    %scan3A_25 = arith.addi %scan3A_23, %scan3A_24 : i32
    %scan3A_26 = arith.constant 1 : i32
    scf.for %scan3A_56 = %scan3A_23 to %scan3A_25 step %scan3A_26  : i32 {
      %dma_wait3A_57 = arith.constant 0 : i32
      %dma_wait3A_58 = arith.constant 0 : i32
      %dma_wait3A_59 = tpu.memref_slice %arg8[%dma_wait3A_57, %dma_wait3A_58] : memref<5000x16xf32, #tpu.memory_space<vmem>> -> memref<128x16xf32, #tpu.memory_space<vmem>>
      %dma_wait3A_60 = arith.constant 0 : i32
      %dma_wait3A_61 = arith.constant 0 : i32
      %dma_wait3A_62 = tpu.memref_slice %arg2[%dma_wait3A_60, %dma_wait3A_61] : memref<10000x16xf32, #tpu.memory_space<hbm>> -> memref<128x16xf32, #tpu.memory_space<hbm>>
      %dma_wait3A_63 = arith.constant 0 : i32
      %dma_wait3A_64 = arith.constant 0 : i32
      %dma_wait3A_65 = tpu.memref_slice %arg8[%dma_wait3A_63, %dma_wait3A_64] : memref<5000x16xf32, #tpu.memory_space<vmem>> -> memref<128x16xf32, #tpu.memory_space<vmem>>
      %dma_wait3A_66 = arith.constant 0 : i32
      %dma_wait3A_67 = arith.constant 0 : i32
      %dma_wait3A_68 = tpu.memref_slice %arg2[%dma_wait3A_66, %dma_wait3A_67] : memref<10000x16xf32, #tpu.memory_space<hbm>> -> memref<128x16xf32, #tpu.memory_space<hbm>>
      tpu.wait_dma2 semaphore(%arg9 : memref<!tpu.dma_semaphore, #tpu.memory_space<semaphore_mem>>) src(%dma_wait3A_68 : memref<128x16xf32, #tpu.memory_space<hbm>>) dst(%dma_wait3A_65 : memref<128x16xf32, #tpu.memory_space<vmem>>)
    }
    %scan3A_27 = arith.constant 39 : i32
    "tpu.region"() ({
      %run_scoped3A = tpu.sem_alloc : memref<!tpu.dma_semaphore, #tpu.memory_space<semaphore_mem>>
      %dma_start3A_56 = arith.constant 0 : i32
      %dma_start3A_57 = tpu.memref_slice %arg5[%mul3A_2, %dma_start3A_56] : memref<160000x16xf32, #tpu.memory_space<hbm>> -> memref<5000x16xf32, #tpu.memory_space<hbm>>
      %dma_start3A_58 = arith.constant 0 : i32
      %dma_start3A_59 = tpu.memref_slice %arg5[%mul3A_2, %dma_start3A_58] : memref<160000x16xf32, #tpu.memory_space<hbm>> -> memref<5000x16xf32, #tpu.memory_space<hbm>>
      tpu.enqueue_dma source(%arg8 : memref<5000x16xf32, #tpu.memory_space<vmem>>) target(%dma_start3A_59 : memref<5000x16xf32, #tpu.memory_space<hbm>>) target_semaphore(%run_scoped3A : memref<!tpu.dma_semaphore, #tpu.memory_space<semaphore_mem>>)
      %dma_wait3A_60 = arith.constant 0 : i32
      %dma_wait3A_61 = tpu.memref_slice %arg5[%mul3A_2, %dma_wait3A_60] : memref<160000x16xf32, #tpu.memory_space<hbm>> -> memref<5000x16xf32, #tpu.memory_space<hbm>>
      %dma_wait3A_62 = arith.constant 0 : i32
      %dma_wait3A_63 = tpu.memref_slice %arg5[%mul3A_2, %dma_wait3A_62] : memref<160000x16xf32, #tpu.memory_space<hbm>> -> memref<5000x16xf32, #tpu.memory_space<hbm>>
      tpu.wait_dma2 semaphore(%run_scoped3A : memref<!tpu.dma_semaphore, #tpu.memory_space<semaphore_mem>>) src(%arg8 : memref<5000x16xf32, #tpu.memory_space<vmem>>) dst(%dma_wait3A_63 : memref<5000x16xf32, #tpu.memory_space<hbm>>)
      tpu.yield
    }) : () -> ()
    "tpu.region"() ({
      %run_scoped3A = tpu.sem_alloc : memref<!tpu.dma_semaphore, #tpu.memory_space<semaphore_mem>>
      %dma_start3A_56 = tpu.memref_slice %arg4[%mul3A_2] : memref<160000xi32, #tpu.memory_space<hbm>> -> memref<5000xi32, #tpu.memory_space<hbm>>
      %dma_start3A_57 = tpu.memref_slice %arg4[%mul3A_2] : memref<160000xi32, #tpu.memory_space<hbm>> -> memref<5000xi32, #tpu.memory_space<hbm>>
      tpu.enqueue_dma source(%dma_start3A_57 : memref<5000xi32, #tpu.memory_space<hbm>>) target(%arg7 : memref<5000xi32, #tpu.memory_space<vmem>>) target_semaphore(%run_scoped3A : memref<!tpu.dma_semaphore, #tpu.memory_space<semaphore_mem>>)
      %dma_wait3A_58 = tpu.memref_slice %arg4[%mul3A_2] : memref<160000xi32, #tpu.memory_space<hbm>> -> memref<5000xi32, #tpu.memory_space<hbm>>
      %dma_wait3A_59 = tpu.memref_slice %arg4[%mul3A_2] : memref<160000xi32, #tpu.memory_space<hbm>> -> memref<5000xi32, #tpu.memory_space<hbm>>
      tpu.wait_dma2 semaphore(%run_scoped3A : memref<!tpu.dma_semaphore, #tpu.memory_space<semaphore_mem>>) src(%dma_wait3A_59 : memref<5000xi32, #tpu.memory_space<hbm>>) dst(%arg7 : memref<5000xi32, #tpu.memory_space<vmem>>)
      tpu.yield
    }) : () -> ()
    %scan3A_28 = arith.constant 0 : i32
    %scan3A_29 = arith.constant 0 : i32
    %scan3A_30 = arith.constant 39 : i32
    %scan3A_31 = arith.addi %scan3A_29, %scan3A_30 : i32
    %scan3A_32 = arith.constant 1 : i32
    scf.for %scan3A_56 = %scan3A_29 to %scan3A_31 step %scan3A_32  : i32 {
      %mul3A_57 = arith.constant 128 : i32
      %mul3A_58 = arith.muli %scan3A_56, %mul3A_57 : i32
      %mul3A_59 = arith.constant 128 : i32
      %mul3A_60 = arith.muli %scan3A_56, %mul3A_59 : i32
      %dma_start3A_61 = arith.constant 0 : i32
      %dma_start3A_62 = tpu.memref_slice %arg8[%mul3A_60, %dma_start3A_61] : memref<5000x16xf32, #tpu.memory_space<vmem>> -> memref<128x16xf32, #tpu.memory_space<vmem>>
      %dma_start3A_63 = tpu.memref_slice %arg7[%mul3A_58] : memref<5000xi32, #tpu.memory_space<vmem>> -> memref<128xi32, #tpu.memory_space<vmem>>
      %dma_start3A_64 = arith.constant 0 : i32
      %dma_start3A_65 = arith.constant 0 : i32
      %dma_start3A_66 = tpu.memref_slice %arg2[%dma_start3A_64, %dma_start3A_65] : memref<10000x16xf32, #tpu.memory_space<hbm>> -> memref<10000x16xf32, #tpu.memory_space<hbm>>
      tpu.enqueue_indirect_dma source(%dma_start3A_66 : memref<10000x16xf32, #tpu.memory_space<hbm>>) target(%dma_start3A_62 : memref<128x16xf32, #tpu.memory_space<vmem>>) offsets(%dma_start3A_63 : memref<128xi32, #tpu.memory_space<vmem>>) semaphore(%arg9 : memref<!tpu.dma_semaphore, #tpu.memory_space<semaphore_mem>>)
    }
    %scan3A_33 = arith.constant 39 : i32
    %dma_start3A_34 = arith.constant 4992 : i32
    %dma_start3A_35 = arith.constant 0 : i32
    %dma_start3A_36 = tpu.memref_slice %arg8[%dma_start3A_34, %dma_start3A_35] : memref<5000x16xf32, #tpu.memory_space<vmem>> -> memref<8x16xf32, #tpu.memory_space<vmem>>
    %dma_start3A_37 = arith.constant 4992 : i32
    %dma_start3A_38 = tpu.memref_slice %arg7[%dma_start3A_37] : memref<5000xi32, #tpu.memory_space<vmem>> -> memref<8xi32, #tpu.memory_space<vmem>>
    %dma_start3A_39 = arith.constant 0 : i32
    %dma_start3A_40 = arith.constant 0 : i32
    %dma_start3A_41 = tpu.memref_slice %arg2[%dma_start3A_39, %dma_start3A_40] : memref<10000x16xf32, #tpu.memory_space<hbm>> -> memref<10000x16xf32, #tpu.memory_space<hbm>>
    tpu.enqueue_indirect_dma source(%dma_start3A_41 : memref<10000x16xf32, #tpu.memory_space<hbm>>) target(%dma_start3A_36 : memref<8x16xf32, #tpu.memory_space<vmem>>) offsets(%dma_start3A_38 : memref<8xi32, #tpu.memory_space<vmem>>) semaphore(%arg9 : memref<!tpu.dma_semaphore, #tpu.memory_space<semaphore_mem>>)
    %dma_wait3A_42 = arith.constant 4992 : i32
    %dma_wait3A_43 = arith.constant 0 : i32
    %dma_wait3A_44 = tpu.memref_slice %arg8[%dma_wait3A_42, %dma_wait3A_43] : memref<5000x16xf32, #tpu.memory_space<vmem>> -> memref<8x16xf32, #tpu.memory_space<vmem>>
    %dma_wait3A_45 = arith.constant 4992 : i32
    %dma_wait3A_46 = tpu.memref_slice %arg7[%dma_wait3A_45] : memref<5000xi32, #tpu.memory_space<vmem>> -> memref<8xi32, #tpu.memory_space<vmem>>
    %dma_wait3A_47 = arith.constant 0 : i32
    %dma_wait3A_48 = arith.constant 0 : i32
    %dma_wait3A_49 = tpu.memref_slice %arg2[%dma_wait3A_47, %dma_wait3A_48] : memref<10000x16xf32, #tpu.memory_space<hbm>> -> memref<10000x16xf32, #tpu.memory_space<hbm>>
    tpu.wait_indirect_dma semaphore(%arg9 : memref<!tpu.dma_semaphore, #tpu.memory_space<semaphore_mem>>) src(%dma_wait3A_49 : memref<10000x16xf32, #tpu.memory_space<hbm>>) dst(%dma_wait3A_44 : memref<8x16xf32, #tpu.memory_space<vmem>>)
    %scan3A_50 = arith.constant 0 : i32
    %scan3A_51 = arith.constant 0 : i32
    %scan3A_52 = arith.constant 39 : i32
    %scan3A_53 = arith.addi %scan3A_51, %scan3A_52 : i32
    %scan3A_54 = arith.constant 1 : i32
    scf.for %scan3A_56 = %scan3A_51 to %scan3A_53 step %scan3A_54  : i32 {
      %dma_wait3A_57 = arith.constant 0 : i32
      %dma_wait3A_58 = arith.constant 0 : i32
      %dma_wait3A_59 = tpu.memref_slice %arg8[%dma_wait3A_57, %dma_wait3A_58] : memref<5000x16xf32, #tpu.memory_space<vmem>> -> memref<128x16xf32, #tpu.memory_space<vmem>>
      %dma_wait3A_60 = arith.constant 0 : i32
      %dma_wait3A_61 = arith.constant 0 : i32
      %dma_wait3A_62 = tpu.memref_slice %arg2[%dma_wait3A_60, %dma_wait3A_61] : memref<10000x16xf32, #tpu.memory_space<hbm>> -> memref<128x16xf32, #tpu.memory_space<hbm>>
      %dma_wait3A_63 = arith.constant 0 : i32
      %dma_wait3A_64 = arith.constant 0 : i32
      %dma_wait3A_65 = tpu.memref_slice %arg8[%dma_wait3A_63, %dma_wait3A_64] : memref<5000x16xf32, #tpu.memory_space<vmem>> -> memref<128x16xf32, #tpu.memory_space<vmem>>
      %dma_wait3A_66 = arith.constant 0 : i32
      %dma_wait3A_67 = arith.constant 0 : i32
      %dma_wait3A_68 = tpu.memref_slice %arg2[%dma_wait3A_66, %dma_wait3A_67] : memref<10000x16xf32, #tpu.memory_space<hbm>> -> memref<128x16xf32, #tpu.memory_space<hbm>>
      tpu.wait_dma2 semaphore(%arg9 : memref<!tpu.dma_semaphore, #tpu.memory_space<semaphore_mem>>) src(%dma_wait3A_68 : memref<128x16xf32, #tpu.memory_space<hbm>>) dst(%dma_wait3A_65 : memref<128x16xf32, #tpu.memory_space<vmem>>)
    }
    %scan3A_55 = arith.constant 39 : i32
    "tpu.region"() ({
      %run_scoped3A = tpu.sem_alloc : memref<!tpu.dma_semaphore, #tpu.memory_space<semaphore_mem>>
      %dma_start3A_56 = arith.constant 0 : i32
      %dma_start3A_57 = tpu.memref_slice %arg6[%mul3A_2, %dma_start3A_56] : memref<160000x16xf32, #tpu.memory_space<hbm>> -> memref<5000x16xf32, #tpu.memory_space<hbm>>
      %dma_start3A_58 = arith.constant 0 : i32
      %dma_start3A_59 = tpu.memref_slice %arg6[%mul3A_2, %dma_start3A_58] : memref<160000x16xf32, #tpu.memory_space<hbm>> -> memref<5000x16xf32, #tpu.memory_space<hbm>>
      tpu.enqueue_dma source(%arg8 : memref<5000x16xf32, #tpu.memory_space<vmem>>) target(%dma_start3A_59 : memref<5000x16xf32, #tpu.memory_space<hbm>>) target_semaphore(%run_scoped3A : memref<!tpu.dma_semaphore, #tpu.memory_space<semaphore_mem>>)
      %dma_wait3A_60 = arith.constant 0 : i32
      %dma_wait3A_61 = tpu.memref_slice %arg6[%mul3A_2, %dma_wait3A_60] : memref<160000x16xf32, #tpu.memory_space<hbm>> -> memref<5000x16xf32, #tpu.memory_space<hbm>>
      %dma_wait3A_62 = arith.constant 0 : i32
      %dma_wait3A_63 = tpu.memref_slice %arg6[%mul3A_2, %dma_wait3A_62] : memref<160000x16xf32, #tpu.memory_space<hbm>> -> memref<5000x16xf32, #tpu.memory_space<hbm>>
      tpu.wait_dma2 semaphore(%run_scoped3A : memref<!tpu.dma_semaphore, #tpu.memory_space<semaphore_mem>>) src(%arg8 : memref<5000x16xf32, #tpu.memory_space<vmem>>) dst(%dma_wait3A_63 : memref<5000x16xf32, #tpu.memory_space<hbm>>)
      tpu.yield
    }) : () -> ()
    return
  }
}

#map = affine_map<(d0, d1) -> (0, 0)>
#map1 = affine_map<(d0, d1) -> (0)>
#map2 = affine_map<(d0, d1) -> (0, 0, 0)>
module attributes {stable_mosaic.version = 14 : i64} {
  func.func @_scatter_body(%arg0: i32, %arg1: i32, %arg2: memref<160000x16xf32, #tpu.memory_space<hbm>>, %arg3: memref<160000xi32, #tpu.memory_space<hbm>>, %arg4: memref<10000x16xf32, #tpu.memory_space<hbm>>, %arg5: memref<2x10000x16xf32, #tpu.memory_space<hbm>>, %arg6: memref<40x128xi32, #tpu.memory_space<vmem>>, %arg7: memref<5120x16xf32, #tpu.memory_space<vmem>>, %arg8: memref<10000x16xf32, #tpu.memory_space<vmem_shared>>, %arg9: memref<!tpu.dma_semaphore, #tpu.memory_space<semaphore_mem>>) attributes {dimension_semantics = [#tpu.dimension_semantics<core_parallel>, #tpu.dimension_semantics<subcore_parallel>], iteration_bounds = array<i64: 2, 16>, scalar_prefetch = 0 : i64, scratch_operands = 4 : i64, tpu.core_type = #tpu.core_type<sc_vector_subcore>, window_params = [{transform_indices = #map}, {transform_indices = #map1}, {transform_indices = #map}, {transform_indices = #map2}]} {
    %mul3A = arith.constant 2 : i32
    %mul3A_0 = arith.muli %arg1, %mul3A : i32
    %add3A = arith.addi %mul3A_0, %arg0 : i32
    %mul3A_1 = arith.constant 5000 : i32
    %mul3A_2 = arith.muli %add3A, %mul3A_1 : i32
    %eq3A = arith.constant 0 : i32
    %eq3A_3 = arith.cmpi eq, %arg1, %eq3A : i32
    %convert_element_type3A = arith.extui %eq3A_3 : i1 to i32
    %cond3A = arith.constant 0 : i32
    %cond3A_4 = arith.cmpi ne, %convert_element_type3A, %cond3A : i32
    scf.if %cond3A_4 {
      "tpu.region"() ({
        %run_scoped3A_30 = tpu.sem_alloc : memref<!tpu.dma_semaphore, #tpu.memory_space<semaphore_mem>>
        tpu.enqueue_dma source(%arg4 : memref<10000x16xf32, #tpu.memory_space<hbm>>) target(%arg8 : memref<10000x16xf32, #tpu.memory_space<vmem_shared>>) target_semaphore(%run_scoped3A_30 : memref<!tpu.dma_semaphore, #tpu.memory_space<semaphore_mem>>)
        tpu.wait_dma2 semaphore(%run_scoped3A_30 : memref<!tpu.dma_semaphore, #tpu.memory_space<semaphore_mem>>) src(%arg4 : memref<10000x16xf32, #tpu.memory_space<hbm>>) dst(%arg8 : memref<10000x16xf32, #tpu.memory_space<vmem_shared>>)
        tpu.yield
      }) : () -> ()
    } else {
    }
    %scan3A = arith.constant 0 : i32
    %scan3A_5 = arith.constant 0 : i32
    %scan3A_6 = arith.constant 39 : i32
    %scan3A_7 = arith.addi %scan3A_5, %scan3A_6 : i32
    %scan3A_8 = arith.constant 1 : i32
    scf.for %scan3A_30 = %scan3A_5 to %scan3A_7 step %scan3A_8  : i32 {
      %mul3A_31 = arith.constant 128 : i32
      %mul3A_32 = arith.muli %scan3A_30, %mul3A_31 : i32
      %add3A_33 = arith.addi %mul3A_2, %mul3A_32 : i32
      %dma_start3A = arith.constant 0 : i32
      %dma_start3A_34 = tpu.memref_slice %arg6[%scan3A_30, %dma_start3A] : memref<40x128xi32, #tpu.memory_space<vmem>> -> memref<1x128xi32, #tpu.memory_space<vmem>>
      %dma_start3A_35 = tpu.memref_squeeze %dma_start3A_34 : memref<1x128xi32, #tpu.memory_space<vmem>> -> memref<128xi32, #tpu.memory_space<vmem>>
      %dma_start3A_36 = tpu.memref_slice %arg3[%add3A_33] : memref<160000xi32, #tpu.memory_space<hbm>> -> memref<128xi32, #tpu.memory_space<hbm>>
      %dma_start3A_37 = arith.constant 0 : i32
      %dma_start3A_38 = tpu.memref_slice %arg6[%scan3A_30, %dma_start3A_37] : memref<40x128xi32, #tpu.memory_space<vmem>> -> memref<1x128xi32, #tpu.memory_space<vmem>>
      %dma_start3A_39 = tpu.memref_squeeze %dma_start3A_38 : memref<1x128xi32, #tpu.memory_space<vmem>> -> memref<128xi32, #tpu.memory_space<vmem>>
      %dma_start3A_40 = tpu.memref_slice %arg3[%add3A_33] : memref<160000xi32, #tpu.memory_space<hbm>> -> memref<128xi32, #tpu.memory_space<hbm>>
      tpu.enqueue_dma source(%dma_start3A_40 : memref<128xi32, #tpu.memory_space<hbm>>) target(%dma_start3A_39 : memref<128xi32, #tpu.memory_space<vmem>>) target_semaphore(%arg9 : memref<!tpu.dma_semaphore, #tpu.memory_space<semaphore_mem>>)
    }
    %scan3A_9 = arith.constant 39 : i32
    %scan3A_10 = arith.constant 0 : i32
    %scan3A_11 = arith.constant 0 : i32
    %scan3A_12 = arith.constant 39 : i32
    %scan3A_13 = arith.addi %scan3A_11, %scan3A_12 : i32
    %scan3A_14 = arith.constant 1 : i32
    scf.for %scan3A_30 = %scan3A_11 to %scan3A_13 step %scan3A_14  : i32 {
      %dma_wait3A = arith.constant 0 : i32
      %dma_wait3A_31 = arith.constant 0 : i32
      %dma_wait3A_32 = tpu.memref_slice %arg6[%dma_wait3A, %dma_wait3A_31] : memref<40x128xi32, #tpu.memory_space<vmem>> -> memref<1x128xi32, #tpu.memory_space<vmem>>
      %dma_wait3A_33 = tpu.memref_squeeze %dma_wait3A_32 : memref<1x128xi32, #tpu.memory_space<vmem>> -> memref<128xi32, #tpu.memory_space<vmem>>
      %dma_wait3A_34 = tpu.memref_slice %arg3[%mul3A_2] : memref<160000xi32, #tpu.memory_space<hbm>> -> memref<128xi32, #tpu.memory_space<hbm>>
      %dma_wait3A_35 = arith.constant 0 : i32
      %dma_wait3A_36 = tpu.memref_slice %arg6[%dma_wait3A, %dma_wait3A_35] : memref<40x128xi32, #tpu.memory_space<vmem>> -> memref<1x128xi32, #tpu.memory_space<vmem>>
      %dma_wait3A_37 = tpu.memref_squeeze %dma_wait3A_36 : memref<1x128xi32, #tpu.memory_space<vmem>> -> memref<128xi32, #tpu.memory_space<vmem>>
      %dma_wait3A_38 = tpu.memref_slice %arg3[%mul3A_2] : memref<160000xi32, #tpu.memory_space<hbm>> -> memref<128xi32, #tpu.memory_space<hbm>>
      tpu.wait_dma2 semaphore(%arg9 : memref<!tpu.dma_semaphore, #tpu.memory_space<semaphore_mem>>) src(%dma_wait3A_38 : memref<128xi32, #tpu.memory_space<hbm>>) dst(%dma_wait3A_37 : memref<128xi32, #tpu.memory_space<vmem>>)
    }
    %scan3A_15 = arith.constant 39 : i32
    %run_scoped3A = arith.constant 39 : i32
    "tpu.region"() ({
      %run_scoped3A_30 = tpu.sem_alloc : memref<!tpu.dma_semaphore, #tpu.memory_space<semaphore_mem>>
      %dma_start3A = arith.constant 0 : i32
      %dma_start3A_31 = tpu.memref_slice %arg6[%run_scoped3A, %dma_start3A] : memref<40x128xi32, #tpu.memory_space<vmem>> -> memref<1x128xi32, #tpu.memory_space<vmem>>
      %dma_start3A_32 = tpu.memref_squeeze %dma_start3A_31 : memref<1x128xi32, #tpu.memory_space<vmem>> -> memref<128xi32, #tpu.memory_space<vmem>>
      %dma_start3A_33 = tpu.memref_slice %arg3[%mul3A_2] : memref<160000xi32, #tpu.memory_space<hbm>> -> memref<128xi32, #tpu.memory_space<hbm>>
      %dma_start3A_34 = arith.constant 0 : i32
      %dma_start3A_35 = tpu.memref_slice %arg6[%run_scoped3A, %dma_start3A_34] : memref<40x128xi32, #tpu.memory_space<vmem>> -> memref<1x128xi32, #tpu.memory_space<vmem>>
      %dma_start3A_36 = tpu.memref_squeeze %dma_start3A_35 : memref<1x128xi32, #tpu.memory_space<vmem>> -> memref<128xi32, #tpu.memory_space<vmem>>
      %dma_start3A_37 = tpu.memref_slice %arg3[%mul3A_2] : memref<160000xi32, #tpu.memory_space<hbm>> -> memref<128xi32, #tpu.memory_space<hbm>>
      tpu.enqueue_dma source(%dma_start3A_37 : memref<128xi32, #tpu.memory_space<hbm>>) target(%dma_start3A_36 : memref<128xi32, #tpu.memory_space<vmem>>) target_semaphore(%run_scoped3A_30 : memref<!tpu.dma_semaphore, #tpu.memory_space<semaphore_mem>>)
      %dma_wait3A = arith.constant 0 : i32
      %dma_wait3A_38 = tpu.memref_slice %arg6[%run_scoped3A, %dma_wait3A] : memref<40x128xi32, #tpu.memory_space<vmem>> -> memref<1x128xi32, #tpu.memory_space<vmem>>
      %dma_wait3A_39 = tpu.memref_squeeze %dma_wait3A_38 : memref<1x128xi32, #tpu.memory_space<vmem>> -> memref<128xi32, #tpu.memory_space<vmem>>
      %dma_wait3A_40 = tpu.memref_slice %arg3[%mul3A_2] : memref<160000xi32, #tpu.memory_space<hbm>> -> memref<128xi32, #tpu.memory_space<hbm>>
      %dma_wait3A_41 = arith.constant 0 : i32
      %dma_wait3A_42 = tpu.memref_slice %arg6[%run_scoped3A, %dma_wait3A_41] : memref<40x128xi32, #tpu.memory_space<vmem>> -> memref<1x128xi32, #tpu.memory_space<vmem>>
      %dma_wait3A_43 = tpu.memref_squeeze %dma_wait3A_42 : memref<1x128xi32, #tpu.memory_space<vmem>> -> memref<128xi32, #tpu.memory_space<vmem>>
      %dma_wait3A_44 = tpu.memref_slice %arg3[%mul3A_2] : memref<160000xi32, #tpu.memory_space<hbm>> -> memref<128xi32, #tpu.memory_space<hbm>>
      tpu.wait_dma2 semaphore(%run_scoped3A_30 : memref<!tpu.dma_semaphore, #tpu.memory_space<semaphore_mem>>) src(%dma_wait3A_44 : memref<128xi32, #tpu.memory_space<hbm>>) dst(%dma_wait3A_43 : memref<128xi32, #tpu.memory_space<vmem>>)
      tpu.yield
    }) : () -> ()
    %add3A_16 = arith.constant 4992 : i32
    %add3A_17 = arith.addi %mul3A_2, %add3A_16 : i32
    %run_scoped3A_18 = arith.constant 39 : i32
    "tpu.region"() ({
      %run_scoped3A_30 = tpu.sem_alloc : memref<!tpu.dma_semaphore, #tpu.memory_space<semaphore_mem>>
      %dma_start3A = arith.constant 0 : i32
      %dma_start3A_31 = tpu.memref_slice %arg6[%run_scoped3A_18, %dma_start3A] : memref<40x128xi32, #tpu.memory_space<vmem>> -> memref<1x8xi32, #tpu.memory_space<vmem>>
      %dma_start3A_32 = tpu.memref_squeeze %dma_start3A_31 : memref<1x8xi32, #tpu.memory_space<vmem>> -> memref<8xi32, #tpu.memory_space<vmem>>
      %dma_start3A_33 = tpu.memref_slice %arg3[%add3A_17] : memref<160000xi32, #tpu.memory_space<hbm>> -> memref<8xi32, #tpu.memory_space<hbm>>
      %dma_start3A_34 = arith.constant 0 : i32
      %dma_start3A_35 = tpu.memref_slice %arg6[%run_scoped3A_18, %dma_start3A_34] : memref<40x128xi32, #tpu.memory_space<vmem>> -> memref<1x8xi32, #tpu.memory_space<vmem>>
      %dma_start3A_36 = tpu.memref_squeeze %dma_start3A_35 : memref<1x8xi32, #tpu.memory_space<vmem>> -> memref<8xi32, #tpu.memory_space<vmem>>
      %dma_start3A_37 = tpu.memref_slice %arg3[%add3A_17] : memref<160000xi32, #tpu.memory_space<hbm>> -> memref<8xi32, #tpu.memory_space<hbm>>
      tpu.enqueue_dma source(%dma_start3A_37 : memref<8xi32, #tpu.memory_space<hbm>>) target(%dma_start3A_36 : memref<8xi32, #tpu.memory_space<vmem>>) target_semaphore(%run_scoped3A_30 : memref<!tpu.dma_semaphore, #tpu.memory_space<semaphore_mem>>)
      %dma_wait3A = arith.constant 0 : i32
      %dma_wait3A_38 = tpu.memref_slice %arg6[%run_scoped3A_18, %dma_wait3A] : memref<40x128xi32, #tpu.memory_space<vmem>> -> memref<1x8xi32, #tpu.memory_space<vmem>>
      %dma_wait3A_39 = tpu.memref_squeeze %dma_wait3A_38 : memref<1x8xi32, #tpu.memory_space<vmem>> -> memref<8xi32, #tpu.memory_space<vmem>>
      %dma_wait3A_40 = tpu.memref_slice %arg3[%add3A_17] : memref<160000xi32, #tpu.memory_space<hbm>> -> memref<8xi32, #tpu.memory_space<hbm>>
      %dma_wait3A_41 = arith.constant 0 : i32
      %dma_wait3A_42 = tpu.memref_slice %arg6[%run_scoped3A_18, %dma_wait3A_41] : memref<40x128xi32, #tpu.memory_space<vmem>> -> memref<1x8xi32, #tpu.memory_space<vmem>>
      %dma_wait3A_43 = tpu.memref_squeeze %dma_wait3A_42 : memref<1x8xi32, #tpu.memory_space<vmem>> -> memref<8xi32, #tpu.memory_space<vmem>>
      %dma_wait3A_44 = tpu.memref_slice %arg3[%add3A_17] : memref<160000xi32, #tpu.memory_space<hbm>> -> memref<8xi32, #tpu.memory_space<hbm>>
      tpu.wait_dma2 semaphore(%run_scoped3A_30 : memref<!tpu.dma_semaphore, #tpu.memory_space<semaphore_mem>>) src(%dma_wait3A_44 : memref<8xi32, #tpu.memory_space<hbm>>) dst(%dma_wait3A_43 : memref<8xi32, #tpu.memory_space<vmem>>)
      tpu.yield
    }) : () -> ()
    "tpu.region"() ({
      %run_scoped3A_30 = tpu.sem_alloc : memref<!tpu.dma_semaphore, #tpu.memory_space<semaphore_mem>>
      %dma_start3A = arith.constant 0 : i32
      %dma_start3A_31 = arith.constant 0 : i32
      %dma_start3A_32 = tpu.memref_slice %arg7[%dma_start3A, %dma_start3A_31] : memref<5120x16xf32, #tpu.memory_space<vmem>> -> memref<5000x16xf32, #tpu.memory_space<vmem>>
      %dma_start3A_33 = arith.constant 0 : i32
      %dma_start3A_34 = tpu.memref_slice %arg2[%mul3A_2, %dma_start3A_33] : memref<160000x16xf32, #tpu.memory_space<hbm>> -> memref<5000x16xf32, #tpu.memory_space<hbm>>
      %dma_start3A_35 = arith.constant 0 : i32
      %dma_start3A_36 = arith.constant 0 : i32
      %dma_start3A_37 = tpu.memref_slice %arg7[%dma_start3A_35, %dma_start3A_36] : memref<5120x16xf32, #tpu.memory_space<vmem>> -> memref<5000x16xf32, #tpu.memory_space<vmem>>
      %dma_start3A_38 = arith.constant 0 : i32
      %dma_start3A_39 = tpu.memref_slice %arg2[%mul3A_2, %dma_start3A_38] : memref<160000x16xf32, #tpu.memory_space<hbm>> -> memref<5000x16xf32, #tpu.memory_space<hbm>>
      tpu.enqueue_dma source(%dma_start3A_39 : memref<5000x16xf32, #tpu.memory_space<hbm>>) target(%dma_start3A_37 : memref<5000x16xf32, #tpu.memory_space<vmem>>) target_semaphore(%run_scoped3A_30 : memref<!tpu.dma_semaphore, #tpu.memory_space<semaphore_mem>>)
      %dma_wait3A = arith.constant 0 : i32
      %dma_wait3A_40 = arith.constant 0 : i32
      %dma_wait3A_41 = tpu.memref_slice %arg7[%dma_wait3A, %dma_wait3A_40] : memref<5120x16xf32, #tpu.memory_space<vmem>> -> memref<5000x16xf32, #tpu.memory_space<vmem>>
      %dma_wait3A_42 = arith.constant 0 : i32
      %dma_wait3A_43 = tpu.memref_slice %arg2[%mul3A_2, %dma_wait3A_42] : memref<160000x16xf32, #tpu.memory_space<hbm>> -> memref<5000x16xf32, #tpu.memory_space<hbm>>
      %dma_wait3A_44 = arith.constant 0 : i32
      %dma_wait3A_45 = arith.constant 0 : i32
      %dma_wait3A_46 = tpu.memref_slice %arg7[%dma_wait3A_44, %dma_wait3A_45] : memref<5120x16xf32, #tpu.memory_space<vmem>> -> memref<5000x16xf32, #tpu.memory_space<vmem>>
      %dma_wait3A_47 = arith.constant 0 : i32
      %dma_wait3A_48 = tpu.memref_slice %arg2[%mul3A_2, %dma_wait3A_47] : memref<160000x16xf32, #tpu.memory_space<hbm>> -> memref<5000x16xf32, #tpu.memory_space<hbm>>
      tpu.wait_dma2 semaphore(%run_scoped3A_30 : memref<!tpu.dma_semaphore, #tpu.memory_space<semaphore_mem>>) src(%dma_wait3A_48 : memref<5000x16xf32, #tpu.memory_space<hbm>>) dst(%dma_wait3A_46 : memref<5000x16xf32, #tpu.memory_space<vmem>>)
      tpu.yield
    }) : () -> ()
    "tpu.region"() ({
      %run_scoped3A_30 = tpu.sem_alloc : memref<!tpu.dma_semaphore, #tpu.memory_space<semaphore_mem>>
      %dma_start3A = arith.constant 5000 : i32
      %dma_start3A_31 = arith.constant 0 : i32
      %dma_start3A_32 = tpu.memref_slice %arg7[%dma_start3A, %dma_start3A_31] : memref<5120x16xf32, #tpu.memory_space<vmem>> -> memref<120x16xf32, #tpu.memory_space<vmem>>
      %dma_start3A_33 = arith.constant 0 : i32
      %dma_start3A_34 = arith.constant 0 : i32
      %dma_start3A_35 = tpu.memref_slice %arg4[%dma_start3A_33, %dma_start3A_34] : memref<10000x16xf32, #tpu.memory_space<hbm>> -> memref<120x16xf32, #tpu.memory_space<hbm>>
      %dma_start3A_36 = arith.constant 5000 : i32
      %dma_start3A_37 = arith.constant 0 : i32
      %dma_start3A_38 = tpu.memref_slice %arg7[%dma_start3A_36, %dma_start3A_37] : memref<5120x16xf32, #tpu.memory_space<vmem>> -> memref<120x16xf32, #tpu.memory_space<vmem>>
      %dma_start3A_39 = arith.constant 0 : i32
      %dma_start3A_40 = arith.constant 0 : i32
      %dma_start3A_41 = tpu.memref_slice %arg4[%dma_start3A_39, %dma_start3A_40] : memref<10000x16xf32, #tpu.memory_space<hbm>> -> memref<120x16xf32, #tpu.memory_space<hbm>>
      tpu.enqueue_dma source(%dma_start3A_41 : memref<120x16xf32, #tpu.memory_space<hbm>>) target(%dma_start3A_38 : memref<120x16xf32, #tpu.memory_space<vmem>>) target_semaphore(%run_scoped3A_30 : memref<!tpu.dma_semaphore, #tpu.memory_space<semaphore_mem>>)
      %dma_wait3A = arith.constant 5000 : i32
      %dma_wait3A_42 = arith.constant 0 : i32
      %dma_wait3A_43 = tpu.memref_slice %arg7[%dma_wait3A, %dma_wait3A_42] : memref<5120x16xf32, #tpu.memory_space<vmem>> -> memref<120x16xf32, #tpu.memory_space<vmem>>
      %dma_wait3A_44 = arith.constant 0 : i32
      %dma_wait3A_45 = arith.constant 0 : i32
      %dma_wait3A_46 = tpu.memref_slice %arg4[%dma_wait3A_44, %dma_wait3A_45] : memref<10000x16xf32, #tpu.memory_space<hbm>> -> memref<120x16xf32, #tpu.memory_space<hbm>>
      %dma_wait3A_47 = arith.constant 5000 : i32
      %dma_wait3A_48 = arith.constant 0 : i32
      %dma_wait3A_49 = tpu.memref_slice %arg7[%dma_wait3A_47, %dma_wait3A_48] : memref<5120x16xf32, #tpu.memory_space<vmem>> -> memref<120x16xf32, #tpu.memory_space<vmem>>
      %dma_wait3A_50 = arith.constant 0 : i32
      %dma_wait3A_51 = arith.constant 0 : i32
      %dma_wait3A_52 = tpu.memref_slice %arg4[%dma_wait3A_50, %dma_wait3A_51] : memref<10000x16xf32, #tpu.memory_space<hbm>> -> memref<120x16xf32, #tpu.memory_space<hbm>>
      tpu.wait_dma2 semaphore(%run_scoped3A_30 : memref<!tpu.dma_semaphore, #tpu.memory_space<semaphore_mem>>) src(%dma_wait3A_52 : memref<120x16xf32, #tpu.memory_space<hbm>>) dst(%dma_wait3A_49 : memref<120x16xf32, #tpu.memory_space<vmem>>)
      tpu.yield
    }) : () -> ()
    %barrier3A = arith.constant 0 : index
    tpu.barrier barrier_id(%barrier3A)
    %scan3A_19 = arith.constant 0 : i32
    %scan3A_20 = arith.constant 0 : i32
    %scan3A_21 = arith.constant 40 : i32
    %scan3A_22 = arith.addi %scan3A_20, %scan3A_21 : i32
    %scan3A_23 = arith.constant 1 : i32
    scf.for %scan3A_30 = %scan3A_20 to %scan3A_22 step %scan3A_23  : i32 {
      %mul3A_31 = arith.constant 128 : i32
      %mul3A_32 = arith.muli %scan3A_30, %mul3A_31 : i32
      "tpu.region"() ({
        %run_scoped3A_33 = tpu.sem_alloc : memref<!tpu.dma_semaphore, #tpu.memory_space<semaphore_mem>>
        %dma_start3A = arith.constant 0 : i32
        %dma_start3A_34 = tpu.memref_slice %arg7[%mul3A_32, %dma_start3A] : memref<5120x16xf32, #tpu.memory_space<vmem>> -> memref<128x16xf32, #tpu.memory_space<vmem>>
        %dma_start3A_35 = arith.constant 0 : i32
        %dma_start3A_36 = tpu.memref_slice %arg6[%scan3A_30, %dma_start3A_35] : memref<40x128xi32, #tpu.memory_space<vmem>> -> memref<1x128xi32, #tpu.memory_space<vmem>>
        %dma_start3A_37 = tpu.memref_squeeze %dma_start3A_36 : memref<1x128xi32, #tpu.memory_space<vmem>> -> memref<128xi32, #tpu.memory_space<vmem>>
        %dma_start3A_38 = arith.constant 0 : i32
        %dma_start3A_39 = arith.constant 0 : i32
        %dma_start3A_40 = tpu.memref_slice %arg8[%dma_start3A_38, %dma_start3A_39] : memref<10000x16xf32, #tpu.memory_space<vmem_shared>> -> memref<10000x16xf32, #tpu.memory_space<vmem_shared>>
        tpu.enqueue_indirect_dma source(%dma_start3A_34 : memref<128x16xf32, #tpu.memory_space<vmem>>) target(%dma_start3A_40 : memref<10000x16xf32, #tpu.memory_space<vmem_shared>>) offsets(%dma_start3A_37 : memref<128xi32, #tpu.memory_space<vmem>>) semaphore(%run_scoped3A_33 : memref<!tpu.dma_semaphore, #tpu.memory_space<semaphore_mem>>) {add = true}
        %dma_wait3A = arith.constant 0 : i32
        %dma_wait3A_41 = tpu.memref_slice %arg7[%mul3A_32, %dma_wait3A] : memref<5120x16xf32, #tpu.memory_space<vmem>> -> memref<128x16xf32, #tpu.memory_space<vmem>>
        %dma_wait3A_42 = arith.constant 0 : i32
        %dma_wait3A_43 = tpu.memref_slice %arg6[%scan3A_30, %dma_wait3A_42] : memref<40x128xi32, #tpu.memory_space<vmem>> -> memref<1x128xi32, #tpu.memory_space<vmem>>
        %dma_wait3A_44 = tpu.memref_squeeze %dma_wait3A_43 : memref<1x128xi32, #tpu.memory_space<vmem>> -> memref<128xi32, #tpu.memory_space<vmem>>
        %dma_wait3A_45 = arith.constant 0 : i32
        %dma_wait3A_46 = arith.constant 0 : i32
        %dma_wait3A_47 = tpu.memref_slice %arg8[%dma_wait3A_45, %dma_wait3A_46] : memref<10000x16xf32, #tpu.memory_space<vmem_shared>> -> memref<10000x16xf32, #tpu.memory_space<vmem_shared>>
        tpu.wait_indirect_dma semaphore(%run_scoped3A_33 : memref<!tpu.dma_semaphore, #tpu.memory_space<semaphore_mem>>) src(%dma_wait3A_41 : memref<128x16xf32, #tpu.memory_space<vmem>>) dst(%dma_wait3A_47 : memref<10000x16xf32, #tpu.memory_space<vmem_shared>>)
        tpu.yield
      }) : () -> ()
    }
    %scan3A_24 = arith.constant 40 : i32
    %barrier3A_25 = arith.constant 0 : index
    tpu.barrier barrier_id(%barrier3A_25)
    %mul3A_26 = arith.constant 625 : i32
    %mul3A_27 = arith.muli %arg1, %mul3A_26 : i32
    %mul3A_28 = arith.constant 625 : i32
    %mul3A_29 = arith.muli %arg1, %mul3A_28 : i32
    "tpu.region"() ({
      %run_scoped3A_30 = tpu.sem_alloc : memref<!tpu.dma_semaphore, #tpu.memory_space<semaphore_mem>>
      %dma_start3A = arith.constant 0 : i32
      %dma_start3A_31 = tpu.memref_slice %arg5[%arg0, %mul3A_29, %dma_start3A] : memref<2x10000x16xf32, #tpu.memory_space<hbm>> -> memref<1x625x16xf32, #tpu.memory_space<hbm>>
      %dma_start3A_32 = tpu.memref_squeeze %dma_start3A_31 : memref<1x625x16xf32, #tpu.memory_space<hbm>> -> memref<625x16xf32, #tpu.memory_space<hbm>>
      %dma_start3A_33 = arith.constant 0 : i32
      %dma_start3A_34 = tpu.memref_slice %arg8[%mul3A_27, %dma_start3A_33] : memref<10000x16xf32, #tpu.memory_space<vmem_shared>> -> memref<625x16xf32, #tpu.memory_space<vmem_shared>>
      tpu.enqueue_dma source(%dma_start3A_34 : memref<625x16xf32, #tpu.memory_space<vmem_shared>>) target(%dma_start3A_32 : memref<625x16xf32, #tpu.memory_space<hbm>>) target_semaphore(%run_scoped3A_30 : memref<!tpu.dma_semaphore, #tpu.memory_space<semaphore_mem>>)
      %dma_wait3A = arith.constant 0 : i32
      %dma_wait3A_35 = tpu.memref_slice %arg5[%arg0, %mul3A_29, %dma_wait3A] : memref<2x10000x16xf32, #tpu.memory_space<hbm>> -> memref<1x625x16xf32, #tpu.memory_space<hbm>>
      %dma_wait3A_36 = tpu.memref_squeeze %dma_wait3A_35 : memref<1x625x16xf32, #tpu.memory_space<hbm>> -> memref<625x16xf32, #tpu.memory_space<hbm>>
      %dma_wait3A_37 = arith.constant 0 : i32
      %dma_wait3A_38 = tpu.memref_slice %arg8[%mul3A_27, %dma_wait3A_37] : memref<10000x16xf32, #tpu.memory_space<vmem_shared>> -> memref<625x16xf32, #tpu.memory_space<vmem_shared>>
      tpu.wait_dma2 semaphore(%run_scoped3A_30 : memref<!tpu.dma_semaphore, #tpu.memory_space<semaphore_mem>>) src(%dma_wait3A_38 : memref<625x16xf32, #tpu.memory_space<vmem_shared>>) dst(%dma_wait3A_36 : memref<625x16xf32, #tpu.memory_space<hbm>>)
      tpu.yield
    }) : () -> ()
    return
  }
}

module attributes {stable_mosaic.version = 14 : i64} {
  func.func @_dense_body(%arg0: i32, %arg1: memref<3200x16xf32, #tpu.memory_space<vmem>>, %arg2: memref<3200x16xf32, #tpu.memory_space<vmem>>, %arg3: memref<8x3200xf32, #tpu.memory_space<vmem>>, %arg4: memref<16x3200xf32, #tpu.memory_space<vmem>>, %arg5: memref<1x3200xf32, #tpu.memory_space<vmem>>, %arg6: memref<16x256xf32, #tpu.memory_space<vmem>>, %arg7: memref<16x256xf32, #tpu.memory_space<vmem>>, %arg8: memref<8x256xf32, #tpu.memory_space<vmem>>, %arg9: memref<16x16xf32, #tpu.memory_space<vmem>>, %arg10: memref<16x256xf32, #tpu.memory_space<vmem>>, %arg11: memref<256x16xf32, #tpu.memory_space<vmem>>, %arg12: memref<3200x16xf32, #tpu.memory_space<vmem>>) attributes {dimension_semantics = [#tpu.dimension_semantics<arbitrary>], iteration_bounds = array<i64: 50>, scalar_prefetch = 0 : i64, scratch_operands = 0 : i64, tpu.core_type = #tpu.core_type<tc>, window_params = [{transform_indices = @transform_0, window_bounds = array<i64: 3200, 16>}, {transform_indices = @transform_1, window_bounds = array<i64: 3200, 16>}, {transform_indices = @transform_2, window_bounds = array<i64: 8, 3200>}, {transform_indices = @transform_3, window_bounds = array<i64: 16, 3200>}, {transform_indices = @transform_4, window_bounds = array<i64: 1, 3200>}, {pipeline_mode = #tpu.pipeline_mode<synchronous>, transform_indices = @transform_5, window_bounds = array<i64: 16, 256>}, {pipeline_mode = #tpu.pipeline_mode<synchronous>, transform_indices = @transform_6, window_bounds = array<i64: 16, 256>}, {pipeline_mode = #tpu.pipeline_mode<synchronous>, transform_indices = @transform_7, window_bounds = array<i64: 8, 256>}, {pipeline_mode = #tpu.pipeline_mode<synchronous>, transform_indices = @transform_8, window_bounds = array<i64: 16, 16>}, {pipeline_mode = #tpu.pipeline_mode<synchronous>, transform_indices = @transform_9, window_bounds = array<i64: 16, 256>}, {pipeline_mode = #tpu.pipeline_mode<synchronous>, transform_indices = @transform_10, window_bounds = array<i64: 256, 16>}, {transform_indices = @transform_11, window_bounds = array<i64: 3200, 16>}]} {
    %get3A = arith.constant 0 : index
    %get3A_0 = arith.constant 0 : index
    %get3A_1 = vector.load %arg4[%get3A, %get3A_0] : memref<16x3200xf32, #tpu.memory_space<vmem>>, vector<16x3200xf32>
    %transpose3A = tpu.transpose %get3A_1, [1, 0] : vector<16x3200xf32> -> vector<3200x16xf32>
    %get3A_2 = arith.constant 0 : index
    %get3A_3 = arith.constant 0 : index
    %get3A_4 = vector.load %arg3[%get3A_2, %get3A_3] : memref<8x3200xf32, #tpu.memory_space<vmem>>, vector<8x3200xf32>
    %transpose3A_5 = tpu.transpose %get3A_4, [1, 0] : vector<8x3200xf32> -> vector<3200x8xf32>
    %get3A_6 = arith.constant 0 : index
    %get3A_7 = arith.constant 0 : index
    %get3A_8 = vector.load %arg5[%get3A_6, %get3A_7] : memref<1x3200xf32, #tpu.memory_space<vmem>>, vector<1x3200xf32>
    %transpose3A_9 = tpu.transpose %get3A_8, [1, 0] : vector<1x3200xf32> -> vector<3200x1xf32>
    %get3A_10 = arith.constant 0 : index
    %get3A_11 = arith.constant 0 : index
    %get3A_12 = vector.load %arg9[%get3A_10, %get3A_11] : memref<16x16xf32, #tpu.memory_space<vmem>>, vector<16x16xf32>
    %dot_general3A = arith.constant dense<0.000000e+00> : vector<3200x16xf32>
    %dot_general3A_13 = tpu.matmul %transpose3A, %get3A_12, %dot_general3A {dimension_numbers = #tpu.dot_dimension_numbers<[1], [0], [0], [1], [0, 0, 1, 1], [], []>, transpose_lhs_hint = false} : vector<3200x16xf32>, vector<16x16xf32>, vector<3200x16xf32> -> vector<3200x16xf32>
    %logistic3A = arith.negf %dot_general3A_13 : vector<3200x16xf32>
    %logistic3A_14 = math.exp %logistic3A : vector<3200x16xf32>
    %logistic3A_15 = arith.constant 1.000000e+00 : f32
    %logistic3A_16 = vector.broadcast %logistic3A_15 : f32 to vector<3200x16xf32>
    %logistic3A_17 = arith.addf %logistic3A_16, %logistic3A_14 : vector<3200x16xf32>
    %logistic3A_18 = arith.divf %logistic3A_16, %logistic3A_17 : vector<3200x16xf32>
    %mul3A = arith.mulf %dot_general3A_13, %logistic3A_18 : vector<3200x16xf32>
    %mul3A_19 = vector.broadcast %transpose3A_9 : vector<3200x1xf32> to vector<3200x16xf32>
    %mul3A_20 = arith.mulf %mul3A, %mul3A_19 : vector<3200x16xf32>
    %get3A_21 = arith.constant 0 : index
    %get3A_22 = arith.constant 0 : index
    %get3A_23 = vector.load %arg1[%get3A_21, %get3A_22] : memref<3200x16xf32, #tpu.memory_space<vmem>>, vector<3200x16xf32>
    %get3A_24 = arith.constant 0 : index
    %get3A_25 = arith.constant 0 : index
    %get3A_26 = vector.load %arg6[%get3A_24, %get3A_25] : memref<16x256xf32, #tpu.memory_space<vmem>>, vector<16x256xf32>
    %dot_general3A_27 = arith.constant dense<0.000000e+00> : vector<3200x256xf32>
    %dot_general3A_28 = tpu.matmul %get3A_23, %get3A_26, %dot_general3A_27 {dimension_numbers = #tpu.dot_dimension_numbers<[1], [0], [0], [1], [0, 0, 1, 1], [], []>, transpose_lhs_hint = false} : vector<3200x16xf32>, vector<16x256xf32>, vector<3200x256xf32> -> vector<3200x256xf32>
    %get3A_29 = arith.constant 0 : index
    %get3A_30 = arith.constant 0 : index
    %get3A_31 = vector.load %arg2[%get3A_29, %get3A_30] : memref<3200x16xf32, #tpu.memory_space<vmem>>, vector<3200x16xf32>
    %get3A_32 = arith.constant 0 : index
    %get3A_33 = arith.constant 0 : index
    %get3A_34 = vector.load %arg7[%get3A_32, %get3A_33] : memref<16x256xf32, #tpu.memory_space<vmem>>, vector<16x256xf32>
    %dot_general3A_35 = arith.constant dense<0.000000e+00> : vector<3200x256xf32>
    %dot_general3A_36 = tpu.matmul %get3A_31, %get3A_34, %dot_general3A_35 {dimension_numbers = #tpu.dot_dimension_numbers<[1], [0], [0], [1], [0, 0, 1, 1], [], []>, transpose_lhs_hint = false} : vector<3200x16xf32>, vector<16x256xf32>, vector<3200x256xf32> -> vector<3200x256xf32>
    %add3A = arith.addf %dot_general3A_28, %dot_general3A_36 : vector<3200x256xf32>
    %get3A_37 = arith.constant 0 : index
    %get3A_38 = arith.constant 0 : index
    %get3A_39 = vector.load %arg8[%get3A_37, %get3A_38] : memref<8x256xf32, #tpu.memory_space<vmem>>, vector<8x256xf32>
    %dot_general3A_40 = arith.constant dense<0.000000e+00> : vector<3200x256xf32>
    %dot_general3A_41 = tpu.matmul %transpose3A_5, %get3A_39, %dot_general3A_40 {dimension_numbers = #tpu.dot_dimension_numbers<[1], [0], [0], [1], [0, 0, 1, 1], [], []>, transpose_lhs_hint = false} : vector<3200x8xf32>, vector<8x256xf32>, vector<3200x256xf32> -> vector<3200x256xf32>
    %add3A_42 = arith.addf %add3A, %dot_general3A_41 : vector<3200x256xf32>
    %get3A_43 = arith.constant 0 : index
    %get3A_44 = arith.constant 0 : index
    %get3A_45 = vector.load %arg10[%get3A_43, %get3A_44] : memref<16x256xf32, #tpu.memory_space<vmem>>, vector<16x256xf32>
    %dot_general3A_46 = arith.constant dense<0.000000e+00> : vector<3200x256xf32>
    %dot_general3A_47 = tpu.matmul %mul3A_20, %get3A_45, %dot_general3A_46 {dimension_numbers = #tpu.dot_dimension_numbers<[1], [0], [0], [1], [0, 0, 1, 1], [], []>, transpose_lhs_hint = false} : vector<3200x16xf32>, vector<16x256xf32>, vector<3200x256xf32> -> vector<3200x256xf32>
    %mul3A_48 = arith.mulf %add3A_42, %dot_general3A_47 : vector<3200x256xf32>
    %get3A_49 = arith.constant 0 : index
    %get3A_50 = arith.constant 0 : index
    %get3A_51 = vector.load %arg11[%get3A_49, %get3A_50] : memref<256x16xf32, #tpu.memory_space<vmem>>, vector<256x16xf32>
    %dot_general3A_52 = arith.constant dense<0.000000e+00> : vector<3200x16xf32>
    %dot_general3A_53 = tpu.matmul %mul3A_48, %get3A_51, %dot_general3A_52 {dimension_numbers = #tpu.dot_dimension_numbers<[1], [0], [0], [1], [0, 0, 1, 1], [], []>, transpose_lhs_hint = false} : vector<3200x256xf32>, vector<256x16xf32>, vector<3200x16xf32> -> vector<3200x16xf32>
    %swap3A = arith.constant 0 : index
    %swap3A_54 = arith.constant 0 : index
    %swap3A_55 = vector.load %arg12[%swap3A, %swap3A_54] : memref<3200x16xf32, #tpu.memory_space<vmem>>, vector<3200x16xf32>
    tpu.vector_store %arg12[%swap3A, %swap3A_54], %dot_general3A_53 {strides = array<i32>} : memref<3200x16xf32, #tpu.memory_space<vmem>>, vector<3200x16xf32>,
    return
  }
  func.func @transform_0(%arg0: i32) -> (i32, i32) {
    %c0_i32 = arith.constant 0 : i32
    %c0_i32_0 = arith.constant 0 : i32
    return %arg0, %c0_i32 : i32, i32
  }
  func.func @transform_1(%arg0: i32) -> (i32, i32) {
    %c0_i32 = arith.constant 0 : i32
    %c0_i32_0 = arith.constant 0 : i32
    return %arg0, %c0_i32 : i32, i32
  }
  func.func @transform_2(%arg0: i32) -> (i32, i32) {
    %c0_i32 = arith.constant 0 : i32
    %c0_i32_0 = arith.constant 0 : i32
    return %c0_i32, %arg0 : i32, i32
  }
  func.func @transform_3(%arg0: i32) -> (i32, i32) {
    %c0_i32 = arith.constant 0 : i32
    %c0_i32_0 = arith.constant 0 : i32
    return %c0_i32, %arg0 : i32, i32
  }
  func.func @transform_4(%arg0: i32) -> (i32, i32) {
    %c0_i32 = arith.constant 0 : i32
    %c0_i32_0 = arith.constant 0 : i32
    return %c0_i32, %arg0 : i32, i32
  }
  func.func @transform_5(%arg0: i32) -> (i32, i32) {
    %c0_i32 = arith.constant 0 : i32
    %c0_i32_0 = arith.constant 0 : i32
    %c0_i32_1 = arith.constant 0 : i32
    return %c0_i32, %c0_i32_0 : i32, i32
  }
  func.func @transform_6(%arg0: i32) -> (i32, i32) {
    %c0_i32 = arith.constant 0 : i32
    %c0_i32_0 = arith.constant 0 : i32
    %c0_i32_1 = arith.constant 0 : i32
    return %c0_i32, %c0_i32_0 : i32, i32
  }
  func.func @transform_7(%arg0: i32) -> (i32, i32) {
    %c0_i32 = arith.constant 0 : i32
    %c0_i32_0 = arith.constant 0 : i32
    %c0_i32_1 = arith.constant 0 : i32
    return %c0_i32, %c0_i32_0 : i32, i32
  }
  func.func @transform_8(%arg0: i32) -> (i32, i32) {
    %c0_i32 = arith.constant 0 : i32
    %c0_i32_0 = arith.constant 0 : i32
    %c0_i32_1 = arith.constant 0 : i32
    return %c0_i32, %c0_i32_0 : i32, i32
  }
  func.func @transform_9(%arg0: i32) -> (i32, i32) {
    %c0_i32 = arith.constant 0 : i32
    %c0_i32_0 = arith.constant 0 : i32
    %c0_i32_1 = arith.constant 0 : i32
    return %c0_i32, %c0_i32_0 : i32, i32
  }
  func.func @transform_10(%arg0: i32) -> (i32, i32) {
    %c0_i32 = arith.constant 0 : i32
    %c0_i32_0 = arith.constant 0 : i32
    %c0_i32_1 = arith.constant 0 : i32
    return %c0_i32, %c0_i32_0 : i32, i32
  }
  func.func @transform_11(%arg0: i32) -> (i32, i32) {
    %c0_i32 = arith.constant 0 : i32
    %c0_i32_0 = arith.constant 0 : i32
    return %arg0, %c0_i32 : i32, i32
  }
}

module attributes {stable_mosaic.version = 14 : i64} {
  func.func @_final_body(%arg0: memref<2x10000x16xf32, #tpu.memory_space<vmem>>, %arg1: memref<16x16xf32, #tpu.memory_space<vmem>>, %arg2: memref<10000x16xf32, #tpu.memory_space<vmem>>) attributes {dimension_semantics = [], scalar_prefetch = 0 : i64, scratch_operands = 0 : i64, tpu.core_type = #tpu.core_type<tc>} {
    %get3A = arith.constant 0 : index
    %get3A_0 = arith.constant 0 : index
    %get3A_1 = arith.constant 0 : index
    %get3A_2 = vector.load %arg0[%get3A, %get3A_0, %get3A_1] : memref<2x10000x16xf32, #tpu.memory_space<vmem>>, vector<1x10000x16xf32>
    %get3A_3 = vector.shape_cast %get3A_2 : vector<1x10000x16xf32> to vector<10000x16xf32>
    %get3A_4 = arith.constant 1 : index
    %get3A_5 = arith.constant 0 : index
    %get3A_6 = arith.constant 0 : index
    %get3A_7 = vector.load %arg0[%get3A_4, %get3A_5, %get3A_6] : memref<2x10000x16xf32, #tpu.memory_space<vmem>>, vector<1x10000x16xf32>
    %get3A_8 = vector.shape_cast %get3A_7 : vector<1x10000x16xf32> to vector<10000x16xf32>
    %add3A = arith.addf %get3A_3, %get3A_8 : vector<10000x16xf32>
    %get3A_9 = arith.constant 0 : index
    %get3A_10 = arith.constant 0 : index
    %get3A_11 = vector.load %arg1[%get3A_9, %get3A_10] : memref<16x16xf32, #tpu.memory_space<vmem>>, vector<16x16xf32>
    %dot_general3A = arith.constant dense<0.000000e+00> : vector<10000x16xf32>
    %dot_general3A_12 = tpu.matmul %add3A, %get3A_11, %dot_general3A {dimension_numbers = #tpu.dot_dimension_numbers<[1], [0], [0], [1], [0, 0, 1, 1], [], []>, transpose_lhs_hint = false} : vector<10000x16xf32>, vector<16x16xf32>, vector<10000x16xf32> -> vector<10000x16xf32>
    %logistic3A = arith.negf %dot_general3A_12 : vector<10000x16xf32>
    %logistic3A_13 = math.exp %logistic3A : vector<10000x16xf32>
    %logistic3A_14 = arith.constant 1.000000e+00 : f32
    %logistic3A_15 = vector.broadcast %logistic3A_14 : f32 to vector<10000x16xf32>
    %logistic3A_16 = arith.addf %logistic3A_15, %logistic3A_13 : vector<10000x16xf32>
    %logistic3A_17 = arith.divf %logistic3A_15, %logistic3A_16 : vector<10000x16xf32>
    %mul3A = arith.mulf %dot_general3A_12, %logistic3A_17 : vector<10000x16xf32>
    %swap3A = arith.constant 0 : index
    %swap3A_18 = arith.constant 0 : index
    %swap3A_19 = vector.load %arg2[%swap3A, %swap3A_18] : memref<10000x16xf32, #tpu.memory_space<vmem>>, vector<10000x16xf32>
    tpu.vector_store %arg2[%swap3A, %swap3A_18], %mul3A {strides = array<i32>} : memref<10000x16xf32, #tpu.memory_space<vmem>>, vector<10000x16xf32>,
    return
  }
}

</mosaic_0001>

<sc_bundles>
// kernel: kernel.6.cloned.1.call-start
scs
__scs_entry_jumppad:
0x0: {  	(pc) =	sbr.rel $0x88, $3  }
0x1: {  	(tag) =	ssettag $0x0;
	lr =	simm.s32 $0x1  }
0x2: {  	[smem:$0x3F98] =	sst lr;
	_ =	strace $0xD0000000  }
0x3: {  	_ = 	snop  }
0x4: {  	_ = 	snop  }
0x5: {  	_ = 	snop  }
0x6: {  	_ = 	snop  }
0x7: {  	_ = 	snop  }
__scs_overlays_trampoline_lowered:
0x8: {  	[smem:$0x3FA7] =	sst s0  }
0x9: {  	[smem:$0x3FA8] =	sst s1  }
0xa: {  	[smem:$0x3FA9] =	sst s2  }
0xb: {  	[smem:$0x3FAA] =	sst s3  }
0xc: {  	[smem:$0x3FAB] =	sst s4  }
0xd: {  	[smem:$0x3FAC] =	sst s5  }
0xe: {  	[smem:$0x3FAD] =	sst s6  }
0xf: {  	[smem:$0x3FAE] =	sst s7  }
0x10: {  	[smem:$0x3FAF] =	sst s8  }
0x11: {  	[smem:$0x3FB0] =	sst s9;
	s0 =	simm.s32 @!p0 $0x0  }
0x12: {  	s1 =	sld [smem:$0x3F96];
	s0 =	simm.s32 @p0 $0x1  }
0x13: {  	[smem:$0x3FB1] =	sst s0;
	s0 =	simm.s32 @!p1 $0x0  }
0x14: {  	s2 =	sld [smem:$0x3F95];
	s0 =	simm.s32 @p1 $0x1  }
0x15: {  	[smem:$0x3FB2] =	sst s0;
	s0 =	simm.s32 @!p2 $0x0  }
0x16: {  	s3 =	sld [smem:$0x3FDB];
	s0 =	simm.s32 @p2 $0x1  }
0x17: {  	s4 =	simm.s32 $0x1BF5;
	[smem:$0x3FB4] =	sst s0  }
0x18: {  	s0 =	sld [smem:$0x3F97];
	_ =	swait.ge [sflag:s4], $0x0  }
0x19: {  	s7 =	sld [smem:$0x3F98]  }
0x1a: {  	s8 =	sadd.s32 $0xFFFFE003, lr  }
0x1b: {  	s9 =	sadd.s32 $0xFFFFFEF7, lr;
	s5 =	simm.s32 $0xFFFFFFFF;
	p2 =	slt.u32 s8, $0xFFFFF086  }
0x1c: {  	p1 =	slt.u32 s9, $0xF7A;
	s5 =	simm.s32 @!p2 $0x0  }
0x1d: {  	s5 =	simm.s32 @p1 $0x1;
	p0 =	seq.s32 s7, s2  }
0x1e: {  	s7 =	smul.u32 @!p0 $0xF7A, s2;
	p2 =	seq.s32 @!p0 s5, $0x0  }
0x1f: {  	s9 =	smul.u32 $0xF7A, s1;
	s8 =	simm.s32 @!p0 $0x1BF5;
	p2 =	por !p2, p0  }
0x20: {  	[sflag:s8] =	ssyncset.s32 @!p0 $0xFFFFF086;
	s6 =	sadd.s32 @!p0 s3, s7;
	s7 =	simm.s32 @!p0 $0x108  }
0x21: {  	s3 =	sadd.s32 s3, s9;
	s6 =	sadd.s32 @!p0 $0x88, s6;
	s7 =	simm.s32 @p2 $0x1082  }
0x22: {  	[simem:s7], [sflag:s8] =	dma.local @!p0 [hbm:s6], $0xF7A  }
0x23: {  	s9 =	sor.u32 $0xD0000000, s2;
	s6 =	simm.s32 $0x108;
	_ =	swait.ge @!p0 [sflag:s8], $0x0  }
0x24: {  	s3 =	sadd.s32 $0x88, s3;
	s6 =	simm.s32 @!p1 $0x1082;
	[sflag:s4] =	ssyncset.s32 $0xFFFFF086  }
0x25: {  	[simem:s6], [sflag:s4] =	dma.local [hbm:s3], $0xF7A  }
0x26: {  	[smem:$0x3F98] =	sst s1;
	(tag) =	ssettag s2;
	_ =	strace s9  }
0x27: {  	s1 =	sld [smem:$0x3FA8]  }
0x28: {  	s2 =	sld [smem:$0x3FA9]  }
0x29: {  	s4 =	sld [smem:$0x3FAB]  }
0x2a: {  	p0 =	seq.s32 s5, $0x0;
	s5 =	sld [smem:$0x3FAC]  }
0x2b: {  	s6 =	sld [smem:$0x3FAD]  }
0x2c: {  	s7 =	sld [smem:$0x3FAE]  }
0x2d: {  	s3 =	simm.s32 $0x108;
	s8 =	sld [smem:$0x3FAF]  }
0x2e: {  	s3 =	simm.s32 @!p0 $0x1082;
	s9 =	sld [smem:$0x3FB0]  }
0x2f: {  	lr =	sadd.s32 s0, s3;
	s0 =	sld [smem:$0x3FA7]  }
0x30: {  	s3 =	sld [smem:$0x3FAA]  }
0x31: {  	[smem:$0x3FB3] =	sst s10  }
0x32: {  	s10 =	sld [smem:$0x3FB1];
	_ =	sdelay $0x3  }
0x33: {  	p0 =	seq.s32 s10, $0x1;
	s10 =	sld [smem:$0x3FB3];
	_ =	sdelay $0x3  }
0x34: {  	[smem:$0x3FB3] =	sst s10  }
0x35: {  	s10 =	sld [smem:$0x3FB2];
	_ =	sdelay $0x3  }
0x36: {  	p1 =	seq.s32 s10, $0x1;
	s10 =	sld [smem:$0x3FB3];
	_ =	sdelay $0x3  }
0x37: {  	[smem:$0x3FB3] =	sst s10  }
0x38: {  	s10 =	sld [smem:$0x3FB4]  }
0x39: {  	_ = 	snop;
	(pc) =	sbr.ind lr, $3  }
0x3a: {  	_ = 	snop  }
0x3b: {  	_ = 	snop  }
0x3c: {  	p2 =	seq.s32 s10, $0x1;
	s10 =	sld [smem:$0x3FB3]  }
0x3d: {  	_ =	shalt  }
0x3e: {  	_ =	shalt  }
0x3f: {  	_ =	shalt  }
0x40: {  	_ =	shalt  }
0x41: {  	_ =	shalt  }
0x42: {  	_ =	shalt  }
0x43: {  	_ =	shalt  }
0x44: {  	_ =	shalt  }
0x45: {  	_ =	shalt  }
0x46: {  	_ =	shalt  }
0x47: {  	_ =	shalt  }
0x48: {  	_ =	shalt  }
0x49: {  	_ =	shalt  }
0x4a: {  	_ =	shalt  }
0x4b: {  	_ =	shalt  }
0x4c: {  	_ =	shalt  }
0x4d: {  	_ =	shalt  }
0x4e: {  	_ =	shalt  }
0x4f: {  	_ =	shalt  }
0x50: {  	_ =	shalt  }
0x51: {  	_ =	shalt  }
0x52: {  	_ =	shalt  }
0x53: {  	_ =	shalt  }
0x54: {  	_ =	shalt  }
0x55: {  	_ =	shalt  }
0x56: {  	_ =	shalt  }
0x57: {  	_ =	shalt  }
0x58: {  	_ =	shalt  }
0x59: {  	_ =	shalt  }
0x5a: {  	_ =	shalt  }
0x5b: {  	_ =	shalt  }
0x5c: {  	_ =	shalt  }
0x5d: {  	_ =	shalt  }
0x5e: {  	_ =	shalt  }
0x5f: {  	_ =	shalt  }
0x60: {  	_ =	shalt  }
0x61: {  	_ =	shalt  }
0x62: {  	_ =	shalt  }
0x63: {  	_ =	shalt  }
0x64: {  	_ =	shalt  }
0x65: {  	_ =	shalt  }
0x66: {  	_ =	shalt  }
0x67: {  	_ =	shalt  }
0x68: {  	_ =	shalt  }
0x69: {  	_ =	shalt  }
0x6a: {  	_ =	shalt  }
0x6b: {  	_ =	shalt  }
0x6c: {  	_ =	shalt  }
0x6d: {  	_ =	shalt  }
0x6e: {  	_ =	shalt  }
0x6f: {  	_ =	shalt  }
0x70: {  	_ =	shalt  }
0x71: {  	_ =	shalt  }
0x72: {  	_ =	shalt  }
0x73: {  	_ =	shalt  }
0x74: {  	_ =	shalt  }
0x75: {  	_ =	shalt  }
0x76: {  	_ =	shalt  }
0x77: {  	_ =	shalt  }
0x78: {  	_ =	shalt  }
0x79: {  	_ =	shalt  }
0x7a: {  	_ =	shalt  }
0x7b: {  	_ =	shalt  }
0x7c: {  	_ =	shalt  }
0x7d: {  	_ =	shalt  }
0x7e: {  	_ =	shalt  }
0x7f: {  	_ =	shalt  }
0x80: {  	_ =	shalt  }
0x81: {  	_ =	shalt  }
0x82: {  	_ =	shalt  }
0x83: {  	_ =	shalt  }
0x84: {  	_ =	shalt  }
0x85: {  	_ =	shalt  }
0x86: {  	_ =	shalt  }
0x87: {  	_ =	shalt  }
.Lfunc_end0:
.L_simem_size_0:
called_computation_lowered:
.L_overlay_start_0:
0x88: {  	s2 =	sld [smem:$0x3FD9]  }
0x89: {  	s3 =	sld [smem:$0x3FFE];
	_ =	sdelay $0x1  }
0x8a: {  	s1 =	srdreg.scid  }
0x8b: {  	s0 =	sand.u32 $0x1, s1  }
0x8c: {  	s17 =	sshll.u32 s0, $0xA;
	s2 =	sadd.s32 s3, s2  }
0x8d: {  	s2 =	sadd.s32 s2, s17  }
0x8e: {  	[smem:$0x3FBF] =	sst s2  }
0x8f: {  	_ = 	snop  }
0x90: {  	s2 =	sld [smem:$0x3FD0];
	(tm) =	ssettm $0x1  }
0x91: {  	s18 =	sld [smem:$0x3FFB];
	_ =	sdelay $0x3  }
0x92: {  	_ =	strace s18  }
0x93: {  	s3 =	sld [smem:$0x3FFC];
	_ =	sdelay $0x3  }
0x94: {  	_ =	strace s3  }
0x95: {  	s3 =	sld [smem:$0x3FFD];
	_ =	sdelay $0x3  }
0x96: {  	_ =	strace s3  }
0x97: {  	_ =	strace $0x8FFFFFFF  }
0x98: {  	s19 =	sld [smem:$0x3FDB];
	_ =	sdelay $0x1  }
0x99: {  	s4 =	simm.s32 $_scs_section_size  }
0x9a: {  	s5 =	simm.s32 $_size__tile_overlayer_lowered;
	s6 =	simm.s32 $_tile_overlayer_lowered  }
0x9b: {  	s22 =	simm.s32 $0x1BFF;
	s21 =	sshll.u32 s6, $0x1;
	s3 =	sadd.s32 s4, s19  }
0x9c: {  	s7 =	simm.s32 $0x0;
	s20 =	sshll.u32 s5, $0x1;
	s5 =	sadd.s32 s21, s3  }
0x9d: {  	[timem:s7], [sflag:s22] =	dma.local [hbm:s5], s20  }
0x9e: {  	_ =	swait.ge [sflag:s22], s20  }
0x9f: {  	s4 =	ssub.s32 $0x0, s20;
	[sflag:s22] =	ssyncset.done $0x0  }
0xa0: {  	[sflag:s22] =	ssyncadd.s32 s4;
	_ =	sdelay $0x1  }
0xa1: {  	s23 =	simm.s32 $0x1B8B  }
0xa2: {  	_ =	swait.ge [sflag:s23], $0x1  }
0xa3: {  	[sflag:s23] =	ssyncset.done $0x0  }
0xa4: {  	s25 =	simm.s32 $0x1B8E;
	s24 =	sld [smem:$0x3FFE];
	[sflag:s23] =	ssyncadd.s32 $0xFFFFFFFF  }
0xa5: {  	s26 =	simm.s32 $execute0_lowered;
	[smem:$0x3FD2] =	sst s25  }
0xa6: {  	s5 =	sshll.u32 s26, $0x1;
	_ =	strace $0x80000046;
	[dreg:$0x1] =	wrdreg $0xFFFFFFFF  }
0xa7: {  	s28 =	simm.s32 $_size_execute0_lowered;
	s3 =	sadd.s32 s3, s5;
	[dreg:$0x0] =	wrdreg $0x0  }
0xa8: {  	s5 =	sshll.u32 s28, $0x1;
	[dreg:$0x2] =	wrdreg s3  }
0xa9: {  	[dreg:$0x3] =	wrdreg s5  }
0xaa: {  	[dreg:$0x4] =	wrdreg $0xC0  }
0xab: {  	_ =	task [dreg:s7], $0x5FFFF  }
0xac: {  	[dreg:$0x1] =	wrdreg $0xFFFFFFFF  }
0xad: {  	[dreg:$0x0] =	wrdreg $0x60  }
0xae: {  	[dreg:$0x2] =	wrdreg s2  }
0xaf: {  	[dreg:$0x3] =	wrdreg s24  }
0xb0: {  	[dreg:$0x4] =	wrdreg $0x9  }
0xb1: {  	_ =	task.clear_ibuf [dreg:s7], $0x5FFFF;
	_ =	strace $0x90000046  }
0xb2: {  	s29 =	simm.s32 $0x9;
	_ =	strace $0x80000048  }
0xb3: {  	_ =	swait.ge [sflag:s29], $0x1  }
0xb4: {  	[sflag:s29] =	ssyncadd.s32 $0xFFFFFFFF  }
0xb5: {  	_ =	strace $0x90000048  }
0xb6: {  	_ =	sfence  }
0xb7: {  	s30 =	sld [smem:$0x0];
	_ =	sdelay $0x2  }
0xb8: {  	s31 =	sshll.u32 s1, $0xD;
	s1 =	sshrl.u32 s1, $0x2  }
0xb9: {  	s3 =	sand.u32 $0x4000, s31;
	s1 =	sadd.s32 s1, s30  }
0xba: {  	s0 =	sor.u32 s3, s0;
	s1 =	sshll.u32 s1, $0x11  }
0xbb: {  	s0 =	sor.u32 s1, s0  }
0xbc: {  	s0 =	sadd.s32 $0x8F2B, s0  }
0xbd: {  	[sflag:s0] =	ssyncadd.remote.s32 $0x1  }
0xbe: {  	_ =	sfence.sel $0xFFFF  }
0xbf: {  	[dreg:$0x0] =	wrdreg $0xFFFFFFFF;
	(pc) =	sbr.abs _section_cstart, $3  }
0xc0: {  	[dreg:$0x1] =	wrdreg $0xFFFFFFFF  }
0xc1: {  	_ =	task.clear_ibuf [dreg:s7], $0x2FFFF;
	_ =	strace $0x9FFFFFFF  }
0xc2: {  	(tm) =	ssettm $0x7FFFFFFF  }
0xc3: {  	_ =	shalt  }
tec
execute0_lowered:
.L_overlay_start_1:
0x0: {  	(tag) =	ssettag $0x1  }
0x1: {  	s1 =	srdreg.scid;
	s2 =	rddreg [dreg:$0x0]  }
0x2: {  	s0 =	stileid.u32;
	s5 =	rddreg [dreg:$0x1]  }
0x3: {  	s3 =	simm.s32 $0x0;
	s10 =	simm.s32 $0x80;
	s11 =	simm.s32 $0x8  }
0x4: {  	s12 =	simm.s32 $0x1380;
	s4 =	sand.u32 $0x1, s1;
	s31 =	sshll.u32 s0, $0x1  }
0x5: {  	s13 =	simm.s32 $0x14B88;
	s14 =	simm.s32 $0x1;
	s6 =	sor.u32 s4, s31  }
0x6: {  	s15 =	simm.s32 $0x1388;
	s16 =	simm.s32 $0x0;
	s7 =	smul.u32 $0x271, s6  }
0x7: {  	[smem:$0x7FF] =	sst s3;
	s4 =	ssub.s32 $0x2, s4;
	s6 =	smul.u32 $0x2710, s6  }
0x8: {  	s1 =	rddreg [dreg:$0x2];
	_ =	strace $0x80000047;
	s8 =	sshrl.u32 s4, $0x1  }
0x9: {  	s8 =	ssub.s32 s4, s8;
	s7 =	sadd.s32 s7, s5;
	s9 =	sadd.s32 s6, s5  }
0xa: {  	s8 =	smax.u32 s8, $0x1;
	s4 =	sadd.s32 $0x7800, s7;
	s5 =	sadd.s32 $0x5AA00, s9  }
0xb: {  	s6 =	sadd.s32 $0x2800, s7;
	s7 =	sadd.s32 $0xC800, s9;
	s9 =	simm.s32 $0x2  }
.LBB2_1:
0xc: {  	[tilespmem:s3], [sflag:$0x2] =	stream.linear.gather [hbm4b:s4+s3], $0x1388, $0x38;
	[tilespmem:$0x14C08] =	vst v63  }
0xd: {  	_ =	swait.ge [sflag:s9], $0x1388  }
0xe: {  	s17 =	simm.s32 $0x200;
	s20 =	simm.s32 $0x0;
	[sflag:s9] =	ssyncset.done $0x0  }
0xf: {  	s18 =	simm.s32 $0x1B88;
	s19 =	simm.s32 $0x1388;
	[sflag:s9] =	ssyncadd.s32 $0xFFFFEC78  }
.LBB2_2:
0x10: {  	[tilespmem:s19], [sflag:$0x1] =	stream.indirect.gather [hbm4b:s2+s10], $0x10, s20, s10, $0xb8;
	[tilespmem:$0x14C08] =	vst v63  }
0x11: {  	s20 =	smov.u32 s17;
	s19 =	smov.u32 s18;
	p0 =	sne.s32 s17, $0x4C00  }
.Ltmp0:
0x12: {  	s17 =	sadd.s32 $0x200, s17;
	(pc) =	sbr.rel @p0 .LBB2_2-.Ltmp0, $2  }
0x13: {  	_ =	sdelay $0x2  }
0x14: {  	s18 =	sadd.s32 $0x800, s18;
	s20 =	sshra.s32 s20, $0x2  }
0x15: {  	[tilespmem:s19], [sflag:$0x1] =	stream.indirect.gather [hbm4b:s2+s10], $0x10, s20, s10, $0xb8;
	[tilespmem:$0x14C08] =	vst v63  }
0x16: {  	_ = 	snop  }
0x17: {  	[tilespmem:s13], [sflag:$0x1] =	stream.indirect.gather [hbm4b:s2+s11], $0x10, s12, s11, $0xb8;
	[tilespmem:$0x14C08] =	vst v63  }
0x18: {  	_ =	swait.ge [sflag:s14], $0x80  }
0x19: {  	[sflag:s14] =	ssyncset.done $0x0  }
0x1a: {  	[sflag:s14] =	ssyncadd.s32 $0xFFFFFF80  }
0x1b: {  	_ =	swait.ge [sflag:s14], $0x800  }
0x1c: {  	s17 =	simm.s32 $0x26;
	[sflag:s14] =	ssyncset.done $0x0  }
.LBB2_4:
0x1d: {  	p0 =	sne.s32 s17, $0x1;
	s17 =	sadd.s32 $0xFFFFFFFF, s17;
	[sflag:s14] =	ssyncadd.s32 $0xFFFFF800  }
.Ltmp1:
0x1e: {  	(pc) =	sbr.rel @p0 .LBB2_4-.Ltmp1, $3  }
0x1f: {  	_ =	sdelay $0x1  }
0x20: {  	_ =	swait.ge [sflag:s14], $0x800  }
0x21: {  	[sflag:s14] =	ssyncset.done $0x0  }
0x22: {  	[sflag:s14] =	ssyncadd.s32 $0xFFFFF800;
	s18 =	simm.s32 $0x0;
	s17 =	simm.s32 $0x1388  }
0x23: {  	[hbm4b:s5+s18] =	stream.linear.scatter [tilespmem:s17], [sflag:$0x2], $0x13880, $0x38;
	[tilespmem:$0x14C08] =	vst v63  }
0x24: {  	_ =	swait.ge [sflag:s9], $0x13880  }
0x25: {  	[sflag:s9] =	ssyncset.done $0x0  }
0x26: {  	[sflag:s9] =	ssyncadd.s32 $0xFFFEC780  }
0x27: {  	[tilespmem:s18], [sflag:$0x2] =	stream.linear.gather [hbm4b:s6+s18], $0x1388, $0x38;
	[tilespmem:$0x14C08] =	vst v63  }
0x28: {  	_ =	swait.ge [sflag:s9], $0x1388  }
0x29: {  	s20 =	simm.s32 $0x0;
	[sflag:s9] =	ssyncset.done $0x0  }
0x2a: {  	s19 =	simm.s32 $0x1B88;
	s18 =	simm.s32 $0x200;
	[sflag:s9] =	ssyncadd.s32 $0xFFFFEC78  }
.LBB2_6:
0x2b: {  	[tilespmem:s17], [sflag:$0x1] =	stream.indirect.gather [hbm4b:s2+s10], $0x10, s20, s10, $0xb8;
	[tilespmem:$0x14C08] =	vst v63  }
0x2c: {  	s20 =	smov.u32 s18;
	s17 =	smov.u32 s19;
	p0 =	sne.s32 s18, $0x4C00  }
.Ltmp2:
0x2d: {  	s18 =	sadd.s32 $0x200, s18;
	(pc) =	sbr.rel @p0 .LBB2_6-.Ltmp2, $2  }
0x2e: {  	_ =	sdelay $0x2  }
0x2f: {  	s19 =	sadd.s32 $0x800, s19;
	s20 =	sshra.s32 s20, $0x2  }
0x30: {  	[tilespmem:s17], [sflag:$0x1] =	stream.indirect.gather [hbm4b:s2+s10], $0x10, s20, s10, $0xb8;
	[tilespmem:$0x14C08] =	vst v63  }
0x31: {  	_ = 	snop  }
0x32: {  	[tilespmem:s13], [sflag:$0x1] =	stream.indirect.gather [hbm4b:s2+s11], $0x10, s12, s11, $0xb8;
	[tilespmem:$0x14C08] =	vst v63  }
0x33: {  	_ =	swait.ge [sflag:s14], $0x80  }
0x34: {  	[sflag:s14] =	ssyncset.done $0x0  }
0x35: {  	[sflag:s14] =	ssyncadd.s32 $0xFFFFFF80  }
0x36: {  	_ =	swait.ge [sflag:s14], $0x800  }
0x37: {  	s17 =	simm.s32 $0x26;
	[sflag:s14] =	ssyncset.done $0x0  }
.LBB2_8:
0x38: {  	p0 =	sne.s32 s17, $0x1;
	s17 =	sadd.s32 $0xFFFFFFFF, s17;
	[sflag:s14] =	ssyncadd.s32 $0xFFFFF800  }
.Ltmp3:
0x39: {  	(pc) =	sbr.rel @p0 .LBB2_8-.Ltmp3, $3  }
0x3a: {  	_ =	sdelay $0x1  }
0x3b: {  	_ =	swait.ge [sflag:s14], $0x800  }
0x3c: {  	[sflag:s14] =	ssyncset.done $0x0  }
0x3d: {  	s16 =	sadd.s32 $0x1, s16  }
0x3e: {  	p0 =	sne.s32 s16, s8  }
.Ltmp4:
0x3f: {  	[sflag:s14] =	ssyncadd.s32 $0xFFFFF800;
	(pc) =	sbr.rel @p0 .LBB2_1-.Ltmp4, $4  }
0x40: {  	[hbm4b:s7+s3] =	stream.linear.scatter [tilespmem:s15], [sflag:$0x2], $0x13880, $0x38;
	[tilespmem:$0x14C08] =	vst v63  }
0x41: {  	_ =	swait.ge [sflag:s9], $0x13880  }
0x42: {  	[sflag:s9] =	ssyncset.done $0x0  }
0x43: {  	[sflag:s9] =	ssyncadd.s32 $0xFFFEC780  }
0x44: {  	_ =	sfence.sel $0x180000  }
0x45: {  	[bflag:$0x0] =	sbarrier.arrive $0xFFFF  }
0x46: {  	p0 =	sne.s32 s0, $0x0;
	_ =	strace $0x90000047  }
0x47: {  	s0 =	sadd.s32 @!p0 $0x100000, s1;
	[bflag:$0x2] =	sbarrier.arrive $0xFFFF  }
0x48: {  	[sflag:s0] =	ssyncadd.tile.s32 @!p0 $0x1;
	_ =	shalt  }
.Lfunc_end2:
_tile_overlayer_lowered:
.L_overlay_start_2:
0x49: {  	(tag) =	ssettag $0x2  }
0x4a: {  	s0 =	rddreg [dreg:$0x0];
	s2 =	stileid.u32  }
0x4b: {  	s1 =	rddreg [dreg:$0x1];
	p0 =	sne.s32 s2, $0x0  }
0x4c: {  	s3 =	rddreg [dreg:$0x2];
	[bflag:$0x3] =	sbarrier.arrive $0xFFFF;
	s2 =	simm.s32 @!p0 $0x1C02  }
0x4d: {  	[timem:s3], [sflag:s2] =	dma.local @!p0 [hbm:s0], s1  }
0x4e: {  	s0 =	simm.s32 @!p0 $0x2  }
0x4f: {  	_ =	swait.ge @!p0 [sflag:s0], s1  }
0x50: {  	s1 =	ssub.s32 @!p0 $0x0, s1;
	[sflag:s0] =	ssyncset.done @!p0 $0x0  }
0x51: {  	[sflag:s0] =	ssyncadd.s32 @!p0 s1  }
0x52: {  	[bflag:$0x3] =	sbarrier.arrive $0xFFFF  }
0x53: {  	_ =	shalt  }

// kernel: kernel.9.cloned.1.call-start
scs
__scs_entry_jumppad:
0x0: {  	(pc) =	sbr.rel $0x88, $3  }
0x1: {  	(tag) =	ssettag $0x0;
	lr =	simm.s32 $0x1  }
0x2: {  	[smem:$0x3F98] =	sst lr;
	_ =	strace $0xD0000000  }
0x3: {  	_ = 	snop  }
0x4: {  	_ = 	snop  }
0x5: {  	_ = 	snop  }
0x6: {  	_ = 	snop  }
0x7: {  	_ = 	snop  }
__scs_overlays_trampoline_lowered:
0x8: {  	[smem:$0x3FA7] =	sst s0  }
0x9: {  	[smem:$0x3FA8] =	sst s1  }
0xa: {  	[smem:$0x3FA9] =	sst s2  }
0xb: {  	[smem:$0x3FAA] =	sst s3  }
0xc: {  	[smem:$0x3FAB] =	sst s4  }
0xd: {  	[smem:$0x3FAC] =	sst s5  }
0xe: {  	[smem:$0x3FAD] =	sst s6  }
0xf: {  	[smem:$0x3FAE] =	sst s7  }
0x10: {  	[smem:$0x3FAF] =	sst s8  }
0x11: {  	[smem:$0x3FB0] =	sst s9;
	s0 =	simm.s32 @!p0 $0x0  }
0x12: {  	s1 =	sld [smem:$0x3F96];
	s0 =	simm.s32 @p0 $0x1  }
0x13: {  	[smem:$0x3FB1] =	sst s0;
	s0 =	simm.s32 @!p1 $0x0  }
0x14: {  	s2 =	sld [smem:$0x3F95];
	s0 =	simm.s32 @p1 $0x1  }
0x15: {  	[smem:$0x3FB2] =	sst s0;
	s0 =	simm.s32 @!p2 $0x0  }
0x16: {  	s3 =	sld [smem:$0x3FDB];
	s0 =	simm.s32 @p2 $0x1  }
0x17: {  	s4 =	simm.s32 $0x1BF5;
	[smem:$0x3FB4] =	sst s0  }
0x18: {  	s0 =	sld [smem:$0x3F97];
	_ =	swait.ge [sflag:s4], $0x0  }
0x19: {  	s7 =	sld [smem:$0x3F98]  }
0x1a: {  	s8 =	sadd.s32 $0xFFFFE003, lr  }
0x1b: {  	s9 =	sadd.s32 $0xFFFFFEF7, lr;
	s5 =	simm.s32 $0xFFFFFFFF;
	p2 =	slt.u32 s8, $0xFFFFF086  }
0x1c: {  	p1 =	slt.u32 s9, $0xF7A;
	s5 =	simm.s32 @!p2 $0x0  }
0x1d: {  	s5 =	simm.s32 @p1 $0x1;
	p0 =	seq.s32 s7, s2  }
0x1e: {  	s7 =	smul.u32 @!p0 $0xF7A, s2;
	p2 =	seq.s32 @!p0 s5, $0x0  }
0x1f: {  	s9 =	smul.u32 $0xF7A, s1;
	s8 =	simm.s32 @!p0 $0x1BF5;
	p2 =	por !p2, p0  }
0x20: {  	[sflag:s8] =	ssyncset.s32 @!p0 $0xFFFFF086;
	s6 =	sadd.s32 @!p0 s3, s7;
	s7 =	simm.s32 @!p0 $0x108  }
0x21: {  	s3 =	sadd.s32 s3, s9;
	s6 =	sadd.s32 @!p0 $0x88, s6;
	s7 =	simm.s32 @p2 $0x1082  }
0x22: {  	[simem:s7], [sflag:s8] =	dma.local @!p0 [hbm:s6], $0xF7A  }
0x23: {  	s9 =	sor.u32 $0xD0000000, s2;
	s6 =	simm.s32 $0x108;
	_ =	swait.ge @!p0 [sflag:s8], $0x0  }
0x24: {  	s3 =	sadd.s32 $0x88, s3;
	s6 =	simm.s32 @!p1 $0x1082;
	[sflag:s4] =	ssyncset.s32 $0xFFFFF086  }
0x25: {  	[simem:s6], [sflag:s4] =	dma.local [hbm:s3], $0xF7A  }
0x26: {  	[smem:$0x3F98] =	sst s1;
	(tag) =	ssettag s2;
	_ =	strace s9  }
0x27: {  	s1 =	sld [smem:$0x3FA8]  }
0x28: {  	s2 =	sld [smem:$0x3FA9]  }
0x29: {  	s4 =	sld [smem:$0x3FAB]  }
0x2a: {  	p0 =	seq.s32 s5, $0x0;
	s5 =	sld [smem:$0x3FAC]  }
0x2b: {  	s6 =	sld [smem:$0x3FAD]  }
0x2c: {  	s7 =	sld [smem:$0x3FAE]  }
0x2d: {  	s3 =	simm.s32 $0x108;
	s8 =	sld [smem:$0x3FAF]  }
0x2e: {  	s3 =	simm.s32 @!p0 $0x1082;
	s9 =	sld [smem:$0x3FB0]  }
0x2f: {  	lr =	sadd.s32 s0, s3;
	s0 =	sld [smem:$0x3FA7]  }
0x30: {  	s3 =	sld [smem:$0x3FAA]  }
0x31: {  	[smem:$0x3FB3] =	sst s10  }
0x32: {  	s10 =	sld [smem:$0x3FB1];
	_ =	sdelay $0x3  }
0x33: {  	p0 =	seq.s32 s10, $0x1;
	s10 =	sld [smem:$0x3FB3];
	_ =	sdelay $0x3  }
0x34: {  	[smem:$0x3FB3] =	sst s10  }
0x35: {  	s10 =	sld [smem:$0x3FB2];
	_ =	sdelay $0x3  }
0x36: {  	p1 =	seq.s32 s10, $0x1;
	s10 =	sld [smem:$0x3FB3];
	_ =	sdelay $0x3  }
0x37: {  	[smem:$0x3FB3] =	sst s10  }
0x38: {  	s10 =	sld [smem:$0x3FB4]  }
0x39: {  	_ = 	snop;
	(pc) =	sbr.ind lr, $3  }
0x3a: {  	_ = 	snop  }
0x3b: {  	_ = 	snop  }
0x3c: {  	p2 =	seq.s32 s10, $0x1;
	s10 =	sld [smem:$0x3FB3]  }
0x3d: {  	_ =	shalt  }
0x3e: {  	_ =	shalt  }
0x3f: {  	_ =	shalt  }
0x40: {  	_ =	shalt  }
0x41: {  	_ =	shalt  }
0x42: {  	_ =	shalt  }
0x43: {  	_ =	shalt  }
0x44: {  	_ =	shalt  }
0x45: {  	_ =	shalt  }
0x46: {  	_ =	shalt  }
0x47: {  	_ =	shalt  }
0x48: {  	_ =	shalt  }
0x49: {  	_ =	shalt  }
0x4a: {  	_ =	shalt  }
0x4b: {  	_ =	shalt  }
0x4c: {  	_ =	shalt  }
0x4d: {  	_ =	shalt  }
0x4e: {  	_ =	shalt  }
0x4f: {  	_ =	shalt  }
0x50: {  	_ =	shalt  }
0x51: {  	_ =	shalt  }
0x52: {  	_ =	shalt  }
0x53: {  	_ =	shalt  }
0x54: {  	_ =	shalt  }
0x55: {  	_ =	shalt  }
0x56: {  	_ =	shalt  }
0x57: {  	_ =	shalt  }
0x58: {  	_ =	shalt  }
0x59: {  	_ =	shalt  }
0x5a: {  	_ =	shalt  }
0x5b: {  	_ =	shalt  }
0x5c: {  	_ =	shalt  }
0x5d: {  	_ =	shalt  }
0x5e: {  	_ =	shalt  }
0x5f: {  	_ =	shalt  }
0x60: {  	_ =	shalt  }
0x61: {  	_ =	shalt  }
0x62: {  	_ =	shalt  }
0x63: {  	_ =	shalt  }
0x64: {  	_ =	shalt  }
0x65: {  	_ =	shalt  }
0x66: {  	_ =	shalt  }
0x67: {  	_ =	shalt  }
0x68: {  	_ =	shalt  }
0x69: {  	_ =	shalt  }
0x6a: {  	_ =	shalt  }
0x6b: {  	_ =	shalt  }
0x6c: {  	_ =	shalt  }
0x6d: {  	_ =	shalt  }
0x6e: {  	_ =	shalt  }
0x6f: {  	_ =	shalt  }
0x70: {  	_ =	shalt  }
0x71: {  	_ =	shalt  }
0x72: {  	_ =	shalt  }
0x73: {  	_ =	shalt  }
0x74: {  	_ =	shalt  }
0x75: {  	_ =	shalt  }
0x76: {  	_ =	shalt  }
0x77: {  	_ =	shalt  }
0x78: {  	_ =	shalt  }
0x79: {  	_ =	shalt  }
0x7a: {  	_ =	shalt  }
0x7b: {  	_ =	shalt  }
0x7c: {  	_ =	shalt  }
0x7d: {  	_ =	shalt  }
0x7e: {  	_ =	shalt  }
0x7f: {  	_ =	shalt  }
0x80: {  	_ =	shalt  }
0x81: {  	_ =	shalt  }
0x82: {  	_ =	shalt  }
0x83: {  	_ =	shalt  }
0x84: {  	_ =	shalt  }
0x85: {  	_ =	shalt  }
0x86: {  	_ =	shalt  }
0x87: {  	_ =	shalt  }
.Lfunc_end0:
.L_simem_size_0:
called_computation.1_lowered:
.L_overlay_start_0:
0x88: {  	s2 =	sld [smem:$0x3FD9]  }
0x89: {  	s3 =	sld [smem:$0x3FFE];
	_ =	sdelay $0x1  }
0x8a: {  	s1 =	srdreg.scid  }
0x8b: {  	s0 =	sand.u32 $0x1, s1  }
0x8c: {  	s17 =	sshll.u32 s0, $0xA;
	s2 =	sadd.s32 s3, s2  }
0x8d: {  	s2 =	sadd.s32 s2, s17  }
0x8e: {  	[smem:$0x3FBF] =	sst s2  }
0x8f: {  	_ = 	snop  }
0x90: {  	s2 =	sld [smem:$0x3FD0];
	(tm) =	ssettm $0x1  }
0x91: {  	s18 =	sld [smem:$0x3FFB];
	_ =	sdelay $0x3  }
0x92: {  	_ =	strace s18  }
0x93: {  	s3 =	sld [smem:$0x3FFC];
	_ =	sdelay $0x3  }
0x94: {  	_ =	strace s3  }
0x95: {  	s3 =	sld [smem:$0x3FFD];
	_ =	sdelay $0x3  }
0x96: {  	_ =	strace s3  }
0x97: {  	_ =	strace $0x8FFFFFFF  }
0x98: {  	s19 =	sld [smem:$0x3FDB];
	_ =	sdelay $0x1  }
0x99: {  	s4 =	simm.s32 $_scs_section_size  }
0x9a: {  	s5 =	simm.s32 $_size__tile_overlayer_lowered;
	s6 =	simm.s32 $_tile_overlayer_lowered  }
0x9b: {  	s22 =	simm.s32 $0x1BFF;
	s21 =	sshll.u32 s6, $0x1;
	s3 =	sadd.s32 s4, s19  }
0x9c: {  	s7 =	simm.s32 $0x0;
	s20 =	sshll.u32 s5, $0x1;
	s5 =	sadd.s32 s21, s3  }
0x9d: {  	[timem:s7], [sflag:s22] =	dma.local [hbm:s5], s20  }
0x9e: {  	_ =	swait.ge [sflag:s22], s20  }
0x9f: {  	s4 =	ssub.s32 $0x0, s20;
	[sflag:s22] =	ssyncset.done $0x0  }
0xa0: {  	[sflag:s22] =	ssyncadd.s32 s4;
	_ =	sdelay $0x1  }
0xa1: {  	s23 =	simm.s32 $0x1B8B  }
0xa2: {  	_ =	swait.ge [sflag:s23], $0x1  }
0xa3: {  	[sflag:s23] =	ssyncset.done $0x0  }
0xa4: {  	s25 =	simm.s32 $0x1B8E;
	s24 =	sld [smem:$0x3FFE];
	[sflag:s23] =	ssyncadd.s32 $0xFFFFFFFF  }
0xa5: {  	s26 =	simm.s32 $execute0_lowered;
	[smem:$0x3FD2] =	sst s25  }
0xa6: {  	s5 =	sshll.u32 s26, $0x1;
	_ =	strace $0x80000049;
	[dreg:$0x1] =	wrdreg $0xFFFFFFFF  }
0xa7: {  	s28 =	simm.s32 $_size_execute0_lowered;
	s3 =	sadd.s32 s3, s5;
	[dreg:$0x0] =	wrdreg $0x0  }
0xa8: {  	s5 =	sshll.u32 s28, $0x1;
	[dreg:$0x2] =	wrdreg s3  }
0xa9: {  	[dreg:$0x3] =	wrdreg s5  }
0xaa: {  	[dreg:$0x4] =	wrdreg $0xC0  }
0xab: {  	_ =	task [dreg:s7], $0x5FFFF  }
0xac: {  	[dreg:$0x1] =	wrdreg $0xFFFFFFFF  }
0xad: {  	[dreg:$0x0] =	wrdreg $0x60  }
0xae: {  	[dreg:$0x2] =	wrdreg s24  }
0xaf: {  	[dreg:$0x3] =	wrdreg s2  }
0xb0: {  	[dreg:$0x4] =	wrdreg $0x154000  }
0xb1: {  	[dreg:$0x5] =	wrdreg $0x9  }
0xb2: {  	_ =	task.clear_ibuf [dreg:s7], $0x6FFFF;
	_ =	strace $0x90000049  }
0xb3: {  	s29 =	simm.s32 $0x9;
	_ =	strace $0x8000004B  }
0xb4: {  	_ =	swait.ge [sflag:s29], $0x1  }
0xb5: {  	[sflag:s29] =	ssyncadd.s32 $0xFFFFFFFF  }
0xb6: {  	_ =	strace $0x9000004B  }
0xb7: {  	_ =	sfence  }
0xb8: {  	s30 =	sld [smem:$0x0];
	_ =	sdelay $0x2  }
0xb9: {  	s31 =	sshll.u32 s1, $0xD;
	s1 =	sshrl.u32 s1, $0x2  }
0xba: {  	s3 =	sand.u32 $0x4000, s31;
	s1 =	sadd.s32 s1, s30  }
0xbb: {  	s0 =	sor.u32 s3, s0;
	s1 =	sshll.u32 s1, $0x11  }
0xbc: {  	s0 =	sor.u32 s1, s0  }
0xbd: {  	s0 =	sadd.s32 $0x8F2B, s0  }
0xbe: {  	[sflag:s0] =	ssyncadd.remote.s32 $0x1  }
0xbf: {  	_ =	sfence.sel $0xFFFF  }
0xc0: {  	[dreg:$0x0] =	wrdreg $0xFFFFFFFF;
	(pc) =	sbr.abs _section_cstart, $3  }
0xc1: {  	[dreg:$0x1] =	wrdreg $0xFFFFFFFF  }
0xc2: {  	_ =	task.clear_ibuf [dreg:s7], $0x2FFFF;
	_ =	strace $0x9FFFFFFF  }
0xc3: {  	(tm) =	ssettm $0x7FFFFFFF  }
tec
execute0_lowered:
.L_overlay_start_1:
0x0: {  	(tag) =	ssettag $0x1  }
0x1: {  	s5 =	rddreg [dreg:$0x0]  }
0x2: {  	s1 =	rddreg [dreg:$0x1];
	s0 =	srdreg.scid  }
0x3: {  	s2 =	rddreg [dreg:$0x2];
	s3 =	stileid.u32  }
0x4: {  	s4 =	simm.s32 $0x0;
	s14 =	simm.s32 $0x2;
	s15 =	simm.s32 $0x14C80  }
0x5: {  	s16 =	simm.s32 $0x80;
	s18 =	simm.s32 $0x0;
	s6 =	sand.u32 $0x1, s0  }
0x6: {  	s0 =	rddreg [dreg:$0x3];
	s7 =	sshll.u32 s3, $0x1;
	s9 =	smul.u32 $0x2710, s3  }
0x7: {  	[smem:$0x7FF] =	sst s4;
	s11 =	sadd.s32 $0x7800, s5;
	s8 =	smul.u32 $0x27100, s6  }
0x8: {  	p0 =	sne.s32 s3, $0x0;
	s7 =	sor.u32 s6, s7;
	s13 =	smul.u32 $0x1388, s6  }
0x9: {  	_ =	strace $0x8000004A;
	s12 =	ssub.s32 $0x2, s6;
	s10 =	smul.u32 $0x2710, s7  }
0xa: {  	s7 =	smul.u32 $0x1388, s7;
	s30 =	sshrl.u32 s12, $0x1;
	s17 =	sadd.s32 s9, s2  }
0xb: {  	s8 =	sadd.s32 s9, s8;
	s12 =	ssub.s32 s12, s30;
	s31 =	sadd.s32 s13, s9  }
0xc: {  	s13 =	simm.s32 $0x1380;
	s17 =	sshrl.u32 s17, $0x3;
	s10 =	sadd.s32 s10, s5  }
0xd: {  	s8 =	sshrl.u32 s8, $0x3;
	s29 =	sshrl.u32 s7, $0x3;
	s9 =	smax.u32 s12, $0x1  }
0xe: {  	s12 =	simm.s32 $0x1;
	s8 =	sadd.s32 s8, s5;
	s5 =	sadd.s32 s11, s29  }
0xf: {  	s7 =	sadd.s32 $0xC800, s10;
	s10 =	sshrl.u32 s31, $0x3;
	s6 =	sadd.s32 $0x270, s5  }
0x10: {  	s8 =	sadd.s32 $0x5AA00, s8;
	s10 =	sadd.s32 s10, s11;
	s11 =	sshrl.u32 @!p0 s2, $0x3  }
.LBB2_1:
0x11: {  	s19 =	simm.s32 @!p0 $0x1C02  }
0x12: {  	[spmem:s11], [sflag:s19] =	dma.local @!p0 [hbm:s1], $0x4E20  }
0x13: {  	s19 =	simm.s32 @!p0 $0x2  }
0x14: {  	_ =	swait.ge @!p0 [sflag:s19], $0x4E20  }
0x15: {  	[sflag:s19] =	ssyncset.done @!p0 $0x0  }
0x16: {  	s20 =	simm.s32 $0x0;
	[sflag:s19] =	ssyncadd.s32 @!p0 $0xFFFFB1E0;
	s19 =	simm.s32 $0x0  }
.LBB2_2:
0x17: {  	p1 =	sne.s32 s20, $0x260  }
.Ltmp0:
0x18: {  	_ = 	snop;
	(pc) =	sbr.rel @p1 .LBB2_2-.Ltmp0, $4  }
0x19: {  	_ = 	snop  }
0x1a: {  	s21 =	sadd.s32 s20, s10  }
0x1b: {  	[tilespmem:s19], [sflag:$0x1] =	stream.linear.gather [hbm4b:s21+s4], $0x80, $0x38;
	[tilespmem:$0x17B10] =	vst v63  }
0x1c: {  	s20 =	sadd.s32 $0x10, s20;
	s19 =	sadd.s32 $0x80, s19  }
0x1d: {  	_ =	swait.ge [sflag:s12], $0x80  }
0x1e: {  	s19 =	simm.s32 $0x26;
	[sflag:s12] =	ssyncset.done $0x0  }
.LBB2_4:
0x1f: {  	p1 =	sne.s32 s19, $0x1;
	s19 =	sadd.s32 $0xFFFFFFFF, s19;
	[sflag:s12] =	ssyncadd.s32 $0xFFFFFF80  }
.Ltmp1:
0x20: {  	(pc) =	sbr.rel @p1 .LBB2_4-.Ltmp1, $3  }
0x21: {  	_ =	sdelay $0x1  }
0x22: {  	_ =	swait.ge [sflag:s12], $0x80  }
0x23: {  	[sflag:s12] =	ssyncset.done $0x0  }
0x24: {  	[sflag:s12] =	ssyncadd.s32 $0xFFFFFF80;
	s20 =	simm.s32 $0x0  }
0x25: {  	[tilespmem:s13], [sflag:$0x2] =	stream.linear.gather [hbm4b:s5+s20], $0x80, $0x38;
	[tilespmem:$0x17B10] =	vst v63  }
0x26: {  	_ =	swait.ge [sflag:s14], $0x80  }
0x27: {  	[sflag:s14] =	ssyncset.done $0x0  }
0x28: {  	[sflag:s14] =	ssyncadd.s32 $0xFFFFFF80  }
0x29: {  	[tilespmem:s13], [sflag:$0x2] =	stream.linear.gather [hbm4b:s6+s20], $0x8, $0x38;
	[tilespmem:$0x17B10] =	vst v63  }
0x2a: {  	_ =	swait.ge [sflag:s14], $0x8  }
0x2b: {  	[sflag:s14] =	ssyncset.done $0x0  }
0x2c: {  	s19 =	simm.s32 $0x1400;
	[sflag:s14] =	ssyncadd.s32 $0xFFFFFFF8  }
0x2d: {  	[tilespmem:s19], [sflag:$0x2] =	stream.linear.gather [hbm4b:s7+s20], $0x13880, $0x38;
	[tilespmem:$0x17B10] =	vst v63  }
0x2e: {  	_ =	swait.ge [sflag:s14], $0x13880  }
0x2f: {  	[sflag:s14] =	ssyncset.done $0x0  }
0x30: {  	[sflag:s14] =	ssyncadd.s32 $0xFFFEC780  }
0x31: {  	[tilespmem:s15], [sflag:$0x2] =	stream.linear.gather [hbm4b:s1+s20], $0x780, $0x38;
	[tilespmem:$0x17B10] =	vst v63  }
0x32: {  	_ =	swait.ge [sflag:s14], $0x780  }
0x33: {  	[sflag:s14] =	ssyncset.done $0x0  }
0x34: {  	[sflag:s14] =	ssyncadd.s32 $0xFFFFF880  }
0x35: {  	s31 =	simm.s32 $0x0;
	[bflag:$0x0] =	sbarrier.arrive $0xFFFF  }
0x36: {  	[spmem:s2] =	stream.indirect.scatter.add.f32 [tilespmem:s19], [sflag:$0x2], $0x10, s31, s16, $0xb8;
	[tilespmem:$0x17B10] =	vst v63  }
0x37: {  	_ =	swait.ge [sflag:s14], $0x800  }
0x38: {  	s20 =	simm.s32 $0x200;
	[sflag:s14] =	ssyncset.done $0x0  }
.LBB2_6:
0x39: {  	s21 =	sshra.s32 s20, $0x2  }
0x3a: {  	[sflag:s14] =	ssyncadd.s32 $0xFFFFF800;
	s19 =	sadd.s32 $0x800, s19;
	p1 =	sne.s32 s20, $0x4E00  }
0x3b: {  	[spmem:s2] =	stream.indirect.scatter.add.f32 [tilespmem:s19], [sflag:$0x2], $0x10, s21, s16, $0xb8;
	[tilespmem:$0x17B10] =	vst v63  }
.Ltmp2:
0x3c: {  	_ = 	snop;
	(pc) =	sbr.rel @p1 .LBB2_6-.Ltmp2, $4  }
0x3d: {  	_ = 	snop  }
0x3e: {  	s20 =	sadd.s32 $0x200, s20  }
0x3f: {  	_ =	swait.ge [sflag:s14], $0x800  }
0x40: {  	[sflag:s14] =	ssyncset.done $0x0  }
0x41: {  	s18 =	sadd.s32 $0x1, s18  }
0x42: {  	[sflag:s14] =	ssyncadd.s32 $0xFFFFF800;
	s19 =	sshll.u32 s3, $0x6;
	p1 =	sne.s32 s18, s9  }
.Ltmp3:
0x43: {  	[bflag:$0x0] =	sbarrier.arrive $0xFFFF;
	s19 =	sor.u32 $0x1C02, s19;
	(pc) =	sbr.rel @p1 .LBB2_1-.Ltmp3, $4  }
0x44: {  	[hbm:s8], [sflag:s19] =	dma.local [spmem:s17], $0x4E2  }
0x45: {  	_ =	swait.ge [sflag:s14], $0x4E2  }
0x46: {  	[sflag:s14] =	ssyncset.done $0x0  }
0x47: {  	[sflag:s14] =	ssyncadd.s32 $0xFFFFFB1E  }
0x48: {  	_ =	sfence.sel $0x180000  }
0x49: {  	[bflag:$0x0] =	sbarrier.arrive $0xFFFF  }
0x4a: {  	_ =	strace $0x9000004A  }
0x4b: {  	s0 =	sadd.s32 @!p0 $0x100000, s0;
	[bflag:$0x2] =	sbarrier.arrive $0xFFFF  }
0x4c: {  	[sflag:s0] =	ssyncadd.tile.s32 @!p0 $0x1;
	_ =	shalt  }
.Lfunc_end2:
_tile_overlayer_lowered:
.L_overlay_start_2:
0x4d: {  	(tag) =	ssettag $0x2  }
0x4e: {  	s0 =	rddreg [dreg:$0x0];
	s2 =	stileid.u32  }
0x4f: {  	s1 =	rddreg [dreg:$0x1];
	p0 =	sne.s32 s2, $0x0  }
0x50: {  	s3 =	rddreg [dreg:$0x2];
	[bflag:$0x3] =	sbarrier.arrive $0xFFFF;
	s2 =	simm.s32 @!p0 $0x1C02  }
0x51: {  	[timem:s3], [sflag:s2] =	dma.local @!p0 [hbm:s0], s1  }
0x52: {  	s0 =	simm.s32 @!p0 $0x2  }
0x53: {  	_ =	swait.ge @!p0 [sflag:s0], s1  }
0x54: {  	s1 =	ssub.s32 @!p0 $0x0, s1;
	[sflag:s0] =	ssyncset.done @!p0 $0x0  }
0x55: {  	[sflag:s0] =	ssyncadd.s32 @!p0 s1  }
0x56: {  	[bflag:$0x3] =	sbarrier.arrive $0xFFFF  }
0x57: {  	_ =	shalt  }

</sc_bundles>
